<compile_context>
chip_gen: v7x
topology: tpu7x:2x2x1
jax: 0.10.2.dev20260603
libtpu: 0.0.44.dev20260713+nightly
codegen_flags: <defaults>
</compile_context>

<pallas_src>
import jax
import jax.numpy as jnp
from jax import lax
from jax.experimental import pallas as pl
from jax.experimental.pallas import tpu as pltpu
from jax.experimental.pallas import tpu_sc as plsc

_H = 128
_B = 4
_S = 2048

_NC = 2
_NS = 16
_NW = _NC * _NS
_POS_PER_W = _S // _NW
_LANES = 16
_VECS_PER_ROW = _H // _LANES


def _tok_pos_embed_sc(ids_hbm, tok_hbm, pos_hbm, out_hbm,
                      idx_v, tok_v, pos_v,
                      sem_g0, sem_g0h, sem_g1, sem_g2, sem_g3, sem_pos,
                      sem_out):
  wid = lax.axis_index("s") * _NC + lax.axis_index("c")
  pos_base = wid * _POS_PER_W

  gather_sems = [sem_g0, sem_g1, sem_g2, sem_g3]
  id_copies = [
      pltpu.async_copy(ids_hbm.at[b, pl.ds(pos_base, _POS_PER_W)],
                       idx_v.at[b], gather_sems[b])
      for b in range(_B)
  ]

  pos_copy = pltpu.async_copy(
      pos_hbm.at[pl.ds(pos_base, _POS_PER_W)], pos_v, sem_pos)

  _HALF = _POS_PER_W // 2
  copies = []
  for b in range(_B):
    id_copies[b].wait()
    if b == 0:
      copies.append(pltpu.async_copy(
          tok_hbm.at[idx_v.at[0, pl.ds(0, _HALF)]],
          tok_v.at[0, pl.ds(0, _HALF)], sem_g0))
      copies.append(pltpu.async_copy(
          tok_hbm.at[idx_v.at[0, pl.ds(_HALF, _HALF)]],
          tok_v.at[0, pl.ds(_HALF, _HALF)], sem_g0h))
    else:
      copies.append(
          pltpu.async_copy(tok_hbm.at[idx_v.at[b]], tok_v.at[b],
                           gather_sems[b]))
  pos_copy.wait()

  def add_rows(b, lo, hi):
    @plsc.parallel_loop(lo, hi)
    def row_body(r, b=b):
      for j in range(_VECS_PER_ROW):
        sl = pl.ds(j * _LANES, _LANES)
        plsc.addupdate(tok_v.at[b, r, sl], pos_v[r, sl])

  stores = []
  copies[0].wait()
  add_rows(0, 0, _HALF)
  copies[1].wait()
  add_rows(0, _HALF, _POS_PER_W)
  stores.append(pltpu.async_copy(
      tok_v.at[0], out_hbm.at[pl.ds(pos_base, _POS_PER_W)], sem_out))
  for b in range(1, _B):
    copies[b + 1].wait()
    add_rows(b, 0, _POS_PER_W)
    stores.append(pltpu.async_copy(
        tok_v.at[b], out_hbm.at[pl.ds(b * _S + pos_base, _POS_PER_W)],
        sem_out))

  for s in stores:
    s.wait()


def kernel(input_ids, tok_table, pos_table):
  b, s = input_ids.shape
  if input_ids.dtype != jnp.int32:
    input_ids = input_ids.astype(jnp.int32)

  mesh = plsc.VectorSubcoreMesh(
      core_axis_name="c", subcore_axis_name="s",
      num_cores=_NC, num_subcores=_NS,
  )
  run = pl.kernel(
      _tok_pos_embed_sc,
      out_type=jax.ShapeDtypeStruct((b * s, _H), jnp.float32),
      mesh=mesh,
      scratch_types=[
          pltpu.VMEM((_B, _POS_PER_W), jnp.int32),
          pltpu.VMEM((_B, _POS_PER_W, _H), jnp.float32),
          pltpu.VMEM((_POS_PER_W, _H), jnp.float32),
          pltpu.SemaphoreType.DMA,
          pltpu.SemaphoreType.DMA,
          pltpu.SemaphoreType.DMA,
          pltpu.SemaphoreType.DMA,
          pltpu.SemaphoreType.DMA,
          pltpu.SemaphoreType.DMA,
          pltpu.SemaphoreType.DMA,
      ],
  )
  out = run(input_ids, tok_table, pos_table)
  return out.reshape(b, s, _H)

# --- scband reference (transcript-rebuilt; emitter-appended) ---
"""Pipeline reference for scband-token-pos-embed-45578192945564 (READ-ONLY COPY).

The authoritative reference and input builder live on the scoring server;
editing this copy changes nothing except your own understanding.
"""

import jax, jax.numpy as jnp
import numpy as np

VOCAB_SIZE = 100000
HIDDEN_SIZE = 128
MAX_LEN = 2048
BATCH = 4
SEQ = 2048


def setup_inputs(seed: int = 0) -> dict:
    key = jax.random.key(seed)
    k_ids, k_tok, k_pos = jax.random.split(key, 3)
    input_ids = jax.random.randint(k_ids, (BATCH, SEQ), 0, VOCAB_SIZE, dtype=jnp.int64 if jax.config.jax_enable_x64 else jnp.int32)
    tok_table = jax.random.normal(k_tok, (VOCAB_SIZE, HIDDEN_SIZE), dtype=jnp.float32)
    pos_table = jax.random.normal(k_pos, (MAX_LEN, HIDDEN_SIZE), dtype=jnp.float32)
    return {"input_ids": input_ids, "tok_table": tok_table, "pos_table": pos_table}


def reference(input_ids, tok_table, pos_table):
    b, s = input_ids.shape
    pos_ids = jnp.arange(s)
    # token embedding gather: [B, S, H]
    tok_emb = jnp.take(tok_table, input_ids, axis=0)
    # position embedding gather, broadcast over batch: [1, S, H] -> [B, S, H]
    pos_emb = jnp.take(pos_table, pos_ids, axis=0)[None, :, :]
    return tok_emb + pos_emb

if __name__ == "__main__":
    import jax
    _d = setup_inputs()
    print(jax.jit(kernel)(*tuple(_d.values())))

</pallas_src>

<mosaic_0001>
#map = affine_map<(d0, d1) -> (0, 0)>
module attributes {stable_mosaic.version = 14 : i64} {
  func.func @_tok_pos_embed_sc(%arg0: i32, %arg1: i32, %arg2: memref<4x2048xi32, #tpu.memory_space<hbm>>, %arg3: memref<100000x128xf32, #tpu.memory_space<hbm>>, %arg4: memref<2048x128xf32, #tpu.memory_space<hbm>>, %arg5: memref<8192x128xf32, #tpu.memory_space<hbm>>, %arg6: memref<4x64xi32, #tpu.memory_space<vmem>>, %arg7: memref<4x64x128xf32, #tpu.memory_space<vmem>>, %arg8: memref<64x128xf32, #tpu.memory_space<vmem>>, %arg9: memref<!tpu.dma_semaphore, #tpu.memory_space<semaphore_mem>>, %arg10: memref<!tpu.dma_semaphore, #tpu.memory_space<semaphore_mem>>, %arg11: memref<!tpu.dma_semaphore, #tpu.memory_space<semaphore_mem>>, %arg12: memref<!tpu.dma_semaphore, #tpu.memory_space<semaphore_mem>>, %arg13: memref<!tpu.dma_semaphore, #tpu.memory_space<semaphore_mem>>, %arg14: memref<!tpu.dma_semaphore, #tpu.memory_space<semaphore_mem>>, %arg15: memref<!tpu.dma_semaphore, #tpu.memory_space<semaphore_mem>>) attributes {dimension_semantics = [#tpu.dimension_semantics<core_parallel>, #tpu.dimension_semantics<subcore_parallel>], iteration_bounds = array<i64: 2, 16>, scalar_prefetch = 0 : i64, scratch_operands = 10 : i64, tpu.core_type = #tpu.core_type<sc_vector_subcore>, window_params = [{transform_indices = #map}, {transform_indices = #map}, {transform_indices = #map}, {transform_indices = #map}]} {
    %mul3A = arith.constant 2 : i32
    %mul3A_0 = arith.muli %arg1, %mul3A : i32
    %add3A = arith.addi %mul3A_0, %arg0 : i32
    %mul3A_1 = arith.constant 64 : i32
    %mul3A_2 = arith.muli %add3A, %mul3A_1 : i32
    %dma_start3A = arith.constant 0 : i32
    %dma_start3A_3 = arith.constant 0 : i32
    %dma_start3A_4 = arith.constant 0 : i32
    %dma_start3A_5 = tpu.memref_slice %arg6[%dma_start3A_3, %dma_start3A_4] : memref<4x64xi32, #tpu.memory_space<vmem>> -> memref<1x64xi32, #tpu.memory_space<vmem>>
    %dma_start3A_6 = tpu.memref_squeeze %dma_start3A_5 : memref<1x64xi32, #tpu.memory_space<vmem>> -> memref<64xi32, #tpu.memory_space<vmem>>
    %dma_start3A_7 = tpu.memref_slice %arg2[%dma_start3A, %mul3A_2] : memref<4x2048xi32, #tpu.memory_space<hbm>> -> memref<1x64xi32, #tpu.memory_space<hbm>>
    %dma_start3A_8 = tpu.memref_squeeze %dma_start3A_7 : memref<1x64xi32, #tpu.memory_space<hbm>> -> memref<64xi32, #tpu.memory_space<hbm>>
    %dma_start3A_9 = arith.constant 0 : i32
    %dma_start3A_10 = tpu.memref_slice %arg6[%dma_start3A_3, %dma_start3A_9] : memref<4x64xi32, #tpu.memory_space<vmem>> -> memref<1x64xi32, #tpu.memory_space<vmem>>
    %dma_start3A_11 = tpu.memref_squeeze %dma_start3A_10 : memref<1x64xi32, #tpu.memory_space<vmem>> -> memref<64xi32, #tpu.memory_space<vmem>>
    %dma_start3A_12 = tpu.memref_slice %arg2[%dma_start3A, %mul3A_2] : memref<4x2048xi32, #tpu.memory_space<hbm>> -> memref<1x64xi32, #tpu.memory_space<hbm>>
    %dma_start3A_13 = tpu.memref_squeeze %dma_start3A_12 : memref<1x64xi32, #tpu.memory_space<hbm>> -> memref<64xi32, #tpu.memory_space<hbm>>
    tpu.enqueue_dma source(%dma_start3A_13 : memref<64xi32, #tpu.memory_space<hbm>>) target(%dma_start3A_11 : memref<64xi32, #tpu.memory_space<vmem>>) target_semaphore(%arg9 : memref<!tpu.dma_semaphore, #tpu.memory_space<semaphore_mem>>)
    %dma_start3A_14 = arith.constant 1 : i32
    %dma_start3A_15 = arith.constant 1 : i32
    %dma_start3A_16 = arith.constant 0 : i32
    %dma_start3A_17 = tpu.memref_slice %arg6[%dma_start3A_15, %dma_start3A_16] : memref<4x64xi32, #tpu.memory_space<vmem>> -> memref<1x64xi32, #tpu.memory_space<vmem>>
    %dma_start3A_18 = tpu.memref_squeeze %dma_start3A_17 : memref<1x64xi32, #tpu.memory_space<vmem>> -> memref<64xi32, #tpu.memory_space<vmem>>
    %dma_start3A_19 = tpu.memref_slice %arg2[%dma_start3A_14, %mul3A_2] : memref<4x2048xi32, #tpu.memory_space<hbm>> -> memref<1x64xi32, #tpu.memory_space<hbm>>
    %dma_start3A_20 = tpu.memref_squeeze %dma_start3A_19 : memref<1x64xi32, #tpu.memory_space<hbm>> -> memref<64xi32, #tpu.memory_space<hbm>>
    %dma_start3A_21 = arith.constant 0 : i32
    %dma_start3A_22 = tpu.memref_slice %arg6[%dma_start3A_15, %dma_start3A_21] : memref<4x64xi32, #tpu.memory_space<vmem>> -> memref<1x64xi32, #tpu.memory_space<vmem>>
    %dma_start3A_23 = tpu.memref_squeeze %dma_start3A_22 : memref<1x64xi32, #tpu.memory_space<vmem>> -> memref<64xi32, #tpu.memory_space<vmem>>
    %dma_start3A_24 = tpu.memref_slice %arg2[%dma_start3A_14, %mul3A_2] : memref<4x2048xi32, #tpu.memory_space<hbm>> -> memref<1x64xi32, #tpu.memory_space<hbm>>
    %dma_start3A_25 = tpu.memref_squeeze %dma_start3A_24 : memref<1x64xi32, #tpu.memory_space<hbm>> -> memref<64xi32, #tpu.memory_space<hbm>>
    tpu.enqueue_dma source(%dma_start3A_25 : memref<64xi32, #tpu.memory_space<hbm>>) target(%dma_start3A_23 : memref<64xi32, #tpu.memory_space<vmem>>) target_semaphore(%arg11 : memref<!tpu.dma_semaphore, #tpu.memory_space<semaphore_mem>>)
    %dma_start3A_26 = arith.constant 2 : i32
    %dma_start3A_27 = arith.constant 2 : i32
    %dma_start3A_28 = arith.constant 0 : i32
    %dma_start3A_29 = tpu.memref_slice %arg6[%dma_start3A_27, %dma_start3A_28] : memref<4x64xi32, #tpu.memory_space<vmem>> -> memref<1x64xi32, #tpu.memory_space<vmem>>
    %dma_start3A_30 = tpu.memref_squeeze %dma_start3A_29 : memref<1x64xi32, #tpu.memory_space<vmem>> -> memref<64xi32, #tpu.memory_space<vmem>>
    %dma_start3A_31 = tpu.memref_slice %arg2[%dma_start3A_26, %mul3A_2] : memref<4x2048xi32, #tpu.memory_space<hbm>> -> memref<1x64xi32, #tpu.memory_space<hbm>>
    %dma_start3A_32 = tpu.memref_squeeze %dma_start3A_31 : memref<1x64xi32, #tpu.memory_space<hbm>> -> memref<64xi32, #tpu.memory_space<hbm>>
    %dma_start3A_33 = arith.constant 0 : i32
    %dma_start3A_34 = tpu.memref_slice %arg6[%dma_start3A_27, %dma_start3A_33] : memref<4x64xi32, #tpu.memory_space<vmem>> -> memref<1x64xi32, #tpu.memory_space<vmem>>
    %dma_start3A_35 = tpu.memref_squeeze %dma_start3A_34 : memref<1x64xi32, #tpu.memory_space<vmem>> -> memref<64xi32, #tpu.memory_space<vmem>>
    %dma_start3A_36 = tpu.memref_slice %arg2[%dma_start3A_26, %mul3A_2] : memref<4x2048xi32, #tpu.memory_space<hbm>> -> memref<1x64xi32, #tpu.memory_space<hbm>>
    %dma_start3A_37 = tpu.memref_squeeze %dma_start3A_36 : memref<1x64xi32, #tpu.memory_space<hbm>> -> memref<64xi32, #tpu.memory_space<hbm>>
    tpu.enqueue_dma source(%dma_start3A_37 : memref<64xi32, #tpu.memory_space<hbm>>) target(%dma_start3A_35 : memref<64xi32, #tpu.memory_space<vmem>>) target_semaphore(%arg12 : memref<!tpu.dma_semaphore, #tpu.memory_space<semaphore_mem>>)
    %dma_start3A_38 = arith.constant 3 : i32
    %dma_start3A_39 = arith.constant 3 : i32
    %dma_start3A_40 = arith.constant 0 : i32
    %dma_start3A_41 = tpu.memref_slice %arg6[%dma_start3A_39, %dma_start3A_40] : memref<4x64xi32, #tpu.memory_space<vmem>> -> memref<1x64xi32, #tpu.memory_space<vmem>>
    %dma_start3A_42 = tpu.memref_squeeze %dma_start3A_41 : memref<1x64xi32, #tpu.memory_space<vmem>> -> memref<64xi32, #tpu.memory_space<vmem>>
    %dma_start3A_43 = tpu.memref_slice %arg2[%dma_start3A_38, %mul3A_2] : memref<4x2048xi32, #tpu.memory_space<hbm>> -> memref<1x64xi32, #tpu.memory_space<hbm>>
    %dma_start3A_44 = tpu.memref_squeeze %dma_start3A_43 : memref<1x64xi32, #tpu.memory_space<hbm>> -> memref<64xi32, #tpu.memory_space<hbm>>
    %dma_start3A_45 = arith.constant 0 : i32
    %dma_start3A_46 = tpu.memref_slice %arg6[%dma_start3A_39, %dma_start3A_45] : memref<4x64xi32, #tpu.memory_space<vmem>> -> memref<1x64xi32, #tpu.memory_space<vmem>>
    %dma_start3A_47 = tpu.memref_squeeze %dma_start3A_46 : memref<1x64xi32, #tpu.memory_space<vmem>> -> memref<64xi32, #tpu.memory_space<vmem>>
    %dma_start3A_48 = tpu.memref_slice %arg2[%dma_start3A_38, %mul3A_2] : memref<4x2048xi32, #tpu.memory_space<hbm>> -> memref<1x64xi32, #tpu.memory_space<hbm>>
    %dma_start3A_49 = tpu.memref_squeeze %dma_start3A_48 : memref<1x64xi32, #tpu.memory_space<hbm>> -> memref<64xi32, #tpu.memory_space<hbm>>
    tpu.enqueue_dma source(%dma_start3A_49 : memref<64xi32, #tpu.memory_space<hbm>>) target(%dma_start3A_47 : memref<64xi32, #tpu.memory_space<vmem>>) target_semaphore(%arg13 : memref<!tpu.dma_semaphore, #tpu.memory_space<semaphore_mem>>)
    %dma_start3A_50 = arith.constant 0 : i32
    %dma_start3A_51 = tpu.memref_slice %arg4[%mul3A_2, %dma_start3A_50] : memref<2048x128xf32, #tpu.memory_space<hbm>> -> memref<64x128xf32, #tpu.memory_space<hbm>>
    %dma_start3A_52 = arith.constant 0 : i32
    %dma_start3A_53 = tpu.memref_slice %arg4[%mul3A_2, %dma_start3A_52] : memref<2048x128xf32, #tpu.memory_space<hbm>> -> memref<64x128xf32, #tpu.memory_space<hbm>>
    tpu.enqueue_dma source(%dma_start3A_53 : memref<64x128xf32, #tpu.memory_space<hbm>>) target(%arg8 : memref<64x128xf32, #tpu.memory_space<vmem>>) target_semaphore(%arg14 : memref<!tpu.dma_semaphore, #tpu.memory_space<semaphore_mem>>)
    %dma_wait3A = arith.constant 0 : i32
    %dma_wait3A_54 = arith.constant 0 : i32
    %dma_wait3A_55 = arith.constant 0 : i32
    %dma_wait3A_56 = tpu.memref_slice %arg6[%dma_wait3A_54, %dma_wait3A_55] : memref<4x64xi32, #tpu.memory_space<vmem>> -> memref<1x64xi32, #tpu.memory_space<vmem>>
    %dma_wait3A_57 = tpu.memref_squeeze %dma_wait3A_56 : memref<1x64xi32, #tpu.memory_space<vmem>> -> memref<64xi32, #tpu.memory_space<vmem>>
    %dma_wait3A_58 = tpu.memref_slice %arg2[%dma_wait3A, %mul3A_2] : memref<4x2048xi32, #tpu.memory_space<hbm>> -> memref<1x64xi32, #tpu.memory_space<hbm>>
    %dma_wait3A_59 = tpu.memref_squeeze %dma_wait3A_58 : memref<1x64xi32, #tpu.memory_space<hbm>> -> memref<64xi32, #tpu.memory_space<hbm>>
    %dma_wait3A_60 = arith.constant 0 : i32
    %dma_wait3A_61 = tpu.memref_slice %arg6[%dma_wait3A_54, %dma_wait3A_60] : memref<4x64xi32, #tpu.memory_space<vmem>> -> memref<1x64xi32, #tpu.memory_space<vmem>>
    %dma_wait3A_62 = tpu.memref_squeeze %dma_wait3A_61 : memref<1x64xi32, #tpu.memory_space<vmem>> -> memref<64xi32, #tpu.memory_space<vmem>>
    %dma_wait3A_63 = tpu.memref_slice %arg2[%dma_wait3A, %mul3A_2] : memref<4x2048xi32, #tpu.memory_space<hbm>> -> memref<1x64xi32, #tpu.memory_space<hbm>>
    %dma_wait3A_64 = tpu.memref_squeeze %dma_wait3A_63 : memref<1x64xi32, #tpu.memory_space<hbm>> -> memref<64xi32, #tpu.memory_space<hbm>>
    tpu.wait_dma2 semaphore(%arg9 : memref<!tpu.dma_semaphore, #tpu.memory_space<semaphore_mem>>) src(%dma_wait3A_64 : memref<64xi32, #tpu.memory_space<hbm>>) dst(%dma_wait3A_62 : memref<64xi32, #tpu.memory_space<vmem>>)
    %dma_start3A_65 = arith.constant 0 : i32
    %dma_start3A_66 = arith.constant 0 : i32
    %dma_start3A_67 = arith.constant 0 : i32
    %dma_start3A_68 = arith.constant 0 : i32
    %dma_start3A_69 = tpu.memref_slice %arg7[%dma_start3A_66, %dma_start3A_67, %dma_start3A_68] : memref<4x64x128xf32, #tpu.memory_space<vmem>> -> memref<1x32x128xf32, #tpu.memory_space<vmem>>
    %dma_start3A_70 = tpu.memref_squeeze %dma_start3A_69 : memref<1x32x128xf32, #tpu.memory_space<vmem>> -> memref<32x128xf32, #tpu.memory_space<vmem>>
    %dma_start3A_71 = arith.constant 0 : i32
    %dma_start3A_72 = tpu.memref_slice %arg6[%dma_start3A_65, %dma_start3A_71] : memref<4x64xi32, #tpu.memory_space<vmem>> -> memref<1x32xi32, #tpu.memory_space<vmem>>
    %dma_start3A_73 = tpu.memref_squeeze %dma_start3A_72 : memref<1x32xi32, #tpu.memory_space<vmem>> -> memref<32xi32, #tpu.memory_space<vmem>>
    %dma_start3A_74 = arith.constant 0 : i32
    %dma_start3A_75 = arith.constant 0 : i32
    %dma_start3A_76 = tpu.memref_slice %arg3[%dma_start3A_74, %dma_start3A_75] : memref<100000x128xf32, #tpu.memory_space<hbm>> -> memref<100000x128xf32, #tpu.memory_space<hbm>>
    tpu.enqueue_indirect_dma source(%dma_start3A_76 : memref<100000x128xf32, #tpu.memory_space<hbm>>) target(%dma_start3A_70 : memref<32x128xf32, #tpu.memory_space<vmem>>) offsets(%dma_start3A_73 : memref<32xi32, #tpu.memory_space<vmem>>) semaphore(%arg9 : memref<!tpu.dma_semaphore, #tpu.memory_space<semaphore_mem>>)
    %dma_start3A_77 = arith.constant 0 : i32
    %dma_start3A_78 = arith.constant 0 : i32
    %dma_start3A_79 = arith.constant 32 : i32
    %dma_start3A_80 = arith.constant 0 : i32
    %dma_start3A_81 = tpu.memref_slice %arg7[%dma_start3A_78, %dma_start3A_79, %dma_start3A_80] : memref<4x64x128xf32, #tpu.memory_space<vmem>> -> memref<1x32x128xf32, #tpu.memory_space<vmem>>
    %dma_start3A_82 = tpu.memref_squeeze %dma_start3A_81 : memref<1x32x128xf32, #tpu.memory_space<vmem>> -> memref<32x128xf32, #tpu.memory_space<vmem>>
    %dma_start3A_83 = arith.constant 32 : i32
    %dma_start3A_84 = tpu.memref_slice %arg6[%dma_start3A_77, %dma_start3A_83] : memref<4x64xi32, #tpu.memory_space<vmem>> -> memref<1x32xi32, #tpu.memory_space<vmem>>
    %dma_start3A_85 = tpu.memref_squeeze %dma_start3A_84 : memref<1x32xi32, #tpu.memory_space<vmem>> -> memref<32xi32, #tpu.memory_space<vmem>>
    %dma_start3A_86 = arith.constant 0 : i32
    %dma_start3A_87 = arith.constant 0 : i32
    %dma_start3A_88 = tpu.memref_slice %arg3[%dma_start3A_86, %dma_start3A_87] : memref<100000x128xf32, #tpu.memory_space<hbm>> -> memref<100000x128xf32, #tpu.memory_space<hbm>>
    tpu.enqueue_indirect_dma source(%dma_start3A_88 : memref<100000x128xf32, #tpu.memory_space<hbm>>) target(%dma_start3A_82 : memref<32x128xf32, #tpu.memory_space<vmem>>) offsets(%dma_start3A_85 : memref<32xi32, #tpu.memory_space<vmem>>) semaphore(%arg10 : memref<!tpu.dma_semaphore, #tpu.memory_space<semaphore_mem>>)
    %dma_wait3A_89 = arith.constant 1 : i32
    %dma_wait3A_90 = arith.constant 1 : i32
    %dma_wait3A_91 = arith.constant 0 : i32
    %dma_wait3A_92 = tpu.memref_slice %arg6[%dma_wait3A_90, %dma_wait3A_91] : memref<4x64xi32, #tpu.memory_space<vmem>> -> memref<1x64xi32, #tpu.memory_space<vmem>>
    %dma_wait3A_93 = tpu.memref_squeeze %dma_wait3A_92 : memref<1x64xi32, #tpu.memory_space<vmem>> -> memref<64xi32, #tpu.memory_space<vmem>>
    %dma_wait3A_94 = tpu.memref_slice %arg2[%dma_wait3A_89, %mul3A_2] : memref<4x2048xi32, #tpu.memory_space<hbm>> -> memref<1x64xi32, #tpu.memory_space<hbm>>
    %dma_wait3A_95 = tpu.memref_squeeze %dma_wait3A_94 : memref<1x64xi32, #tpu.memory_space<hbm>> -> memref<64xi32, #tpu.memory_space<hbm>>
    %dma_wait3A_96 = arith.constant 0 : i32
    %dma_wait3A_97 = tpu.memref_slice %arg6[%dma_wait3A_90, %dma_wait3A_96] : memref<4x64xi32, #tpu.memory_space<vmem>> -> memref<1x64xi32, #tpu.memory_space<vmem>>
    %dma_wait3A_98 = tpu.memref_squeeze %dma_wait3A_97 : memref<1x64xi32, #tpu.memory_space<vmem>> -> memref<64xi32, #tpu.memory_space<vmem>>
    %dma_wait3A_99 = tpu.memref_slice %arg2[%dma_wait3A_89, %mul3A_2] : memref<4x2048xi32, #tpu.memory_space<hbm>> -> memref<1x64xi32, #tpu.memory_space<hbm>>
    %dma_wait3A_100 = tpu.memref_squeeze %dma_wait3A_99 : memref<1x64xi32, #tpu.memory_space<hbm>> -> memref<64xi32, #tpu.memory_space<hbm>>
    tpu.wait_dma2 semaphore(%arg11 : memref<!tpu.dma_semaphore, #tpu.memory_space<semaphore_mem>>) src(%dma_wait3A_100 : memref<64xi32, #tpu.memory_space<hbm>>) dst(%dma_wait3A_98 : memref<64xi32, #tpu.memory_space<vmem>>)
    %dma_start3A_101 = arith.constant 1 : i32
    %dma_start3A_102 = arith.constant 1 : i32
    %dma_start3A_103 = arith.constant 0 : i32
    %dma_start3A_104 = arith.constant 0 : i32
    %dma_start3A_105 = tpu.memref_slice %arg7[%dma_start3A_102, %dma_start3A_103, %dma_start3A_104] : memref<4x64x128xf32, #tpu.memory_space<vmem>> -> memref<1x64x128xf32, #tpu.memory_space<vmem>>
    %dma_start3A_106 = tpu.memref_squeeze %dma_start3A_105 : memref<1x64x128xf32, #tpu.memory_space<vmem>> -> memref<64x128xf32, #tpu.memory_space<vmem>>
    %dma_start3A_107 = arith.constant 0 : i32
    %dma_start3A_108 = tpu.memref_slice %arg6[%dma_start3A_101, %dma_start3A_107] : memref<4x64xi32, #tpu.memory_space<vmem>> -> memref<1x64xi32, #tpu.memory_space<vmem>>
    %dma_start3A_109 = tpu.memref_squeeze %dma_start3A_108 : memref<1x64xi32, #tpu.memory_space<vmem>> -> memref<64xi32, #tpu.memory_space<vmem>>
    %dma_start3A_110 = arith.constant 0 : i32
    %dma_start3A_111 = arith.constant 0 : i32
    %dma_start3A_112 = tpu.memref_slice %arg3[%dma_start3A_110, %dma_start3A_111] : memref<100000x128xf32, #tpu.memory_space<hbm>> -> memref<100000x128xf32, #tpu.memory_space<hbm>>
    tpu.enqueue_indirect_dma source(%dma_start3A_112 : memref<100000x128xf32, #tpu.memory_space<hbm>>) target(%dma_start3A_106 : memref<64x128xf32, #tpu.memory_space<vmem>>) offsets(%dma_start3A_109 : memref<64xi32, #tpu.memory_space<vmem>>) semaphore(%arg11 : memref<!tpu.dma_semaphore, #tpu.memory_space<semaphore_mem>>)
    %dma_wait3A_113 = arith.constant 2 : i32
    %dma_wait3A_114 = arith.constant 2 : i32
    %dma_wait3A_115 = arith.constant 0 : i32
    %dma_wait3A_116 = tpu.memref_slice %arg6[%dma_wait3A_114, %dma_wait3A_115] : memref<4x64xi32, #tpu.memory_space<vmem>> -> memref<1x64xi32, #tpu.memory_space<vmem>>
    %dma_wait3A_117 = tpu.memref_squeeze %dma_wait3A_116 : memref<1x64xi32, #tpu.memory_space<vmem>> -> memref<64xi32, #tpu.memory_space<vmem>>
    %dma_wait3A_118 = tpu.memref_slice %arg2[%dma_wait3A_113, %mul3A_2] : memref<4x2048xi32, #tpu.memory_space<hbm>> -> memref<1x64xi32, #tpu.memory_space<hbm>>
    %dma_wait3A_119 = tpu.memref_squeeze %dma_wait3A_118 : memref<1x64xi32, #tpu.memory_space<hbm>> -> memref<64xi32, #tpu.memory_space<hbm>>
    %dma_wait3A_120 = arith.constant 0 : i32
    %dma_wait3A_121 = tpu.memref_slice %arg6[%dma_wait3A_114, %dma_wait3A_120] : memref<4x64xi32, #tpu.memory_space<vmem>> -> memref<1x64xi32, #tpu.memory_space<vmem>>
    %dma_wait3A_122 = tpu.memref_squeeze %dma_wait3A_121 : memref<1x64xi32, #tpu.memory_space<vmem>> -> memref<64xi32, #tpu.memory_space<vmem>>
    %dma_wait3A_123 = tpu.memref_slice %arg2[%dma_wait3A_113, %mul3A_2] : memref<4x2048xi32, #tpu.memory_space<hbm>> -> memref<1x64xi32, #tpu.memory_space<hbm>>
    %dma_wait3A_124 = tpu.memref_squeeze %dma_wait3A_123 : memref<1x64xi32, #tpu.memory_space<hbm>> -> memref<64xi32, #tpu.memory_space<hbm>>
    tpu.wait_dma2 semaphore(%arg12 : memref<!tpu.dma_semaphore, #tpu.memory_space<semaphore_mem>>) src(%dma_wait3A_124 : memref<64xi32, #tpu.memory_space<hbm>>) dst(%dma_wait3A_122 : memref<64xi32, #tpu.memory_space<vmem>>)
    %dma_start3A_125 = arith.constant 2 : i32
    %dma_start3A_126 = arith.constant 2 : i32
    %dma_start3A_127 = arith.constant 0 : i32
    %dma_start3A_128 = arith.constant 0 : i32
    %dma_start3A_129 = tpu.memref_slice %arg7[%dma_start3A_126, %dma_start3A_127, %dma_start3A_128] : memref<4x64x128xf32, #tpu.memory_space<vmem>> -> memref<1x64x128xf32, #tpu.memory_space<vmem>>
    %dma_start3A_130 = tpu.memref_squeeze %dma_start3A_129 : memref<1x64x128xf32, #tpu.memory_space<vmem>> -> memref<64x128xf32, #tpu.memory_space<vmem>>
    %dma_start3A_131 = arith.constant 0 : i32
    %dma_start3A_132 = tpu.memref_slice %arg6[%dma_start3A_125, %dma_start3A_131] : memref<4x64xi32, #tpu.memory_space<vmem>> -> memref<1x64xi32, #tpu.memory_space<vmem>>
    %dma_start3A_133 = tpu.memref_squeeze %dma_start3A_132 : memref<1x64xi32, #tpu.memory_space<vmem>> -> memref<64xi32, #tpu.memory_space<vmem>>
    %dma_start3A_134 = arith.constant 0 : i32
    %dma_start3A_135 = arith.constant 0 : i32
    %dma_start3A_136 = tpu.memref_slice %arg3[%dma_start3A_134, %dma_start3A_135] : memref<100000x128xf32, #tpu.memory_space<hbm>> -> memref<100000x128xf32, #tpu.memory_space<hbm>>
    tpu.enqueue_indirect_dma source(%dma_start3A_136 : memref<100000x128xf32, #tpu.memory_space<hbm>>) target(%dma_start3A_130 : memref<64x128xf32, #tpu.memory_space<vmem>>) offsets(%dma_start3A_133 : memref<64xi32, #tpu.memory_space<vmem>>) semaphore(%arg12 : memref<!tpu.dma_semaphore, #tpu.memory_space<semaphore_mem>>)
    %dma_wait3A_137 = arith.constant 3 : i32
    %dma_wait3A_138 = arith.constant 3 : i32
    %dma_wait3A_139 = arith.constant 0 : i32
    %dma_wait3A_140 = tpu.memref_slice %arg6[%dma_wait3A_138, %dma_wait3A_139] : memref<4x64xi32, #tpu.memory_space<vmem>> -> memref<1x64xi32, #tpu.memory_space<vmem>>
    %dma_wait3A_141 = tpu.memref_squeeze %dma_wait3A_140 : memref<1x64xi32, #tpu.memory_space<vmem>> -> memref<64xi32, #tpu.memory_space<vmem>>
    %dma_wait3A_142 = tpu.memref_slice %arg2[%dma_wait3A_137, %mul3A_2] : memref<4x2048xi32, #tpu.memory_space<hbm>> -> memref<1x64xi32, #tpu.memory_space<hbm>>
    %dma_wait3A_143 = tpu.memref_squeeze %dma_wait3A_142 : memref<1x64xi32, #tpu.memory_space<hbm>> -> memref<64xi32, #tpu.memory_space<hbm>>
    %dma_wait3A_144 = arith.constant 0 : i32
    %dma_wait3A_145 = tpu.memref_slice %arg6[%dma_wait3A_138, %dma_wait3A_144] : memref<4x64xi32, #tpu.memory_space<vmem>> -> memref<1x64xi32, #tpu.memory_space<vmem>>
    %dma_wait3A_146 = tpu.memref_squeeze %dma_wait3A_145 : memref<1x64xi32, #tpu.memory_space<vmem>> -> memref<64xi32, #tpu.memory_space<vmem>>
    %dma_wait3A_147 = tpu.memref_slice %arg2[%dma_wait3A_137, %mul3A_2] : memref<4x2048xi32, #tpu.memory_space<hbm>> -> memref<1x64xi32, #tpu.memory_space<hbm>>
    %dma_wait3A_148 = tpu.memref_squeeze %dma_wait3A_147 : memref<1x64xi32, #tpu.memory_space<hbm>> -> memref<64xi32, #tpu.memory_space<hbm>>
    tpu.wait_dma2 semaphore(%arg13 : memref<!tpu.dma_semaphore, #tpu.memory_space<semaphore_mem>>) src(%dma_wait3A_148 : memref<64xi32, #tpu.memory_space<hbm>>) dst(%dma_wait3A_146 : memref<64xi32, #tpu.memory_space<vmem>>)
    %dma_start3A_149 = arith.constant 3 : i32
    %dma_start3A_150 = arith.constant 3 : i32
    %dma_start3A_151 = arith.constant 0 : i32
    %dma_start3A_152 = arith.constant 0 : i32
    %dma_start3A_153 = tpu.memref_slice %arg7[%dma_start3A_150, %dma_start3A_151, %dma_start3A_152] : memref<4x64x128xf32, #tpu.memory_space<vmem>> -> memref<1x64x128xf32, #tpu.memory_space<vmem>>
    %dma_start3A_154 = tpu.memref_squeeze %dma_start3A_153 : memref<1x64x128xf32, #tpu.memory_space<vmem>> -> memref<64x128xf32, #tpu.memory_space<vmem>>
    %dma_start3A_155 = arith.constant 0 : i32
    %dma_start3A_156 = tpu.memref_slice %arg6[%dma_start3A_149, %dma_start3A_155] : memref<4x64xi32, #tpu.memory_space<vmem>> -> memref<1x64xi32, #tpu.memory_space<vmem>>
    %dma_start3A_157 = tpu.memref_squeeze %dma_start3A_156 : memref<1x64xi32, #tpu.memory_space<vmem>> -> memref<64xi32, #tpu.memory_space<vmem>>
    %dma_start3A_158 = arith.constant 0 : i32
    %dma_start3A_159 = arith.constant 0 : i32
    %dma_start3A_160 = tpu.memref_slice %arg3[%dma_start3A_158, %dma_start3A_159] : memref<100000x128xf32, #tpu.memory_space<hbm>> -> memref<100000x128xf32, #tpu.memory_space<hbm>>
    tpu.enqueue_indirect_dma source(%dma_start3A_160 : memref<100000x128xf32, #tpu.memory_space<hbm>>) target(%dma_start3A_154 : memref<64x128xf32, #tpu.memory_space<vmem>>) offsets(%dma_start3A_157 : memref<64xi32, #tpu.memory_space<vmem>>) semaphore(%arg13 : memref<!tpu.dma_semaphore, #tpu.memory_space<semaphore_mem>>)
    %dma_wait3A_161 = arith.constant 0 : i32
    %dma_wait3A_162 = tpu.memref_slice %arg4[%mul3A_2, %dma_wait3A_161] : memref<2048x128xf32, #tpu.memory_space<hbm>> -> memref<64x128xf32, #tpu.memory_space<hbm>>
    %dma_wait3A_163 = arith.constant 0 : i32
    %dma_wait3A_164 = tpu.memref_slice %arg4[%mul3A_2, %dma_wait3A_163] : memref<2048x128xf32, #tpu.memory_space<hbm>> -> memref<64x128xf32, #tpu.memory_space<hbm>>
    tpu.wait_dma2 semaphore(%arg14 : memref<!tpu.dma_semaphore, #tpu.memory_space<semaphore_mem>>) src(%dma_wait3A_164 : memref<64x128xf32, #tpu.memory_space<hbm>>) dst(%arg8 : memref<64x128xf32, #tpu.memory_space<vmem>>)
    %dma_wait3A_165 = arith.constant 0 : i32
    %dma_wait3A_166 = arith.constant 0 : i32
    %dma_wait3A_167 = arith.constant 0 : i32
    %dma_wait3A_168 = arith.constant 0 : i32
    %dma_wait3A_169 = tpu.memref_slice %arg7[%dma_wait3A_166, %dma_wait3A_167, %dma_wait3A_168] : memref<4x64x128xf32, #tpu.memory_space<vmem>> -> memref<1x32x128xf32, #tpu.memory_space<vmem>>
    %dma_wait3A_170 = tpu.memref_squeeze %dma_wait3A_169 : memref<1x32x128xf32, #tpu.memory_space<vmem>> -> memref<32x128xf32, #tpu.memory_space<vmem>>
    %dma_wait3A_171 = arith.constant 0 : i32
    %dma_wait3A_172 = tpu.memref_slice %arg6[%dma_wait3A_165, %dma_wait3A_171] : memref<4x64xi32, #tpu.memory_space<vmem>> -> memref<1x32xi32, #tpu.memory_space<vmem>>
    %dma_wait3A_173 = tpu.memref_squeeze %dma_wait3A_172 : memref<1x32xi32, #tpu.memory_space<vmem>> -> memref<32xi32, #tpu.memory_space<vmem>>
    %dma_wait3A_174 = arith.constant 0 : i32
    %dma_wait3A_175 = arith.constant 0 : i32
    %dma_wait3A_176 = tpu.memref_slice %arg3[%dma_wait3A_174, %dma_wait3A_175] : memref<100000x128xf32, #tpu.memory_space<hbm>> -> memref<100000x128xf32, #tpu.memory_space<hbm>>
    tpu.wait_indirect_dma semaphore(%arg9 : memref<!tpu.dma_semaphore, #tpu.memory_space<semaphore_mem>>) src(%dma_wait3A_176 : memref<100000x128xf32, #tpu.memory_space<hbm>>) dst(%dma_wait3A_170 : memref<32x128xf32, #tpu.memory_space<vmem>>)
    %parallel_loop3A = arith.constant 0 : i32
    %parallel_loop3A_177 = arith.constant 32 : i32
    %parallel_loop3A_178 = arith.constant 1 : i32
    scf.for %parallel_loop3A_349 = %parallel_loop3A to %parallel_loop3A_177 step %parallel_loop3A_178  : i32 {
      %parallel_loop3A_350 = arith.index_cast %parallel_loop3A_349 : i32 to index
      %parallel_loop3A_351 = arith.constant 0 : index
      %parallel_loop3A_352 = tpu.vector_load %arg8[%parallel_loop3A_350, %parallel_loop3A_351] {strides = array<i32>} : memref<64x128xf32, #tpu.memory_space<vmem>>, vector<1x16xf32>,
      %parallel_loop3A_353 = vector.shape_cast %parallel_loop3A_352 : vector<1x16xf32> to vector<16xf32>
      %parallel_loop3A_354 = arith.constant 0 : i32
      %parallel_loop3A_355 = arith.index_cast %parallel_loop3A_354 : i32 to index
      %parallel_loop3A_356 = arith.index_cast %parallel_loop3A_349 : i32 to index
      %parallel_loop3A_357 = arith.constant 0 : index
      %parallel_loop3A_358 = tpu.vector_load %arg7[%parallel_loop3A_355, %parallel_loop3A_356, %parallel_loop3A_357] {strides = array<i32>} : memref<4x64x128xf32, #tpu.memory_space<vmem>>, vector<1x1x16xf32>,
      %parallel_loop3A_359 = vector.shape_cast %parallel_loop3A_358 : vector<1x1x16xf32> to vector<16xf32>
      %parallel_loop3A_360 = vector.shape_cast %parallel_loop3A_353 : vector<16xf32> to vector<1x1x16xf32>
      tpu.vector_store %arg7[%parallel_loop3A_355, %parallel_loop3A_356, %parallel_loop3A_357], %parallel_loop3A_360 {add = true, strides = array<i32>} : memref<4x64x128xf32, #tpu.memory_space<vmem>>, vector<1x1x16xf32>,
      %parallel_loop3A_361 = arith.index_cast %parallel_loop3A_349 : i32 to index
      %parallel_loop3A_362 = arith.constant 16 : index
      %parallel_loop3A_363 = tpu.vector_load %arg8[%parallel_loop3A_361, %parallel_loop3A_362] {strides = array<i32>} : memref<64x128xf32, #tpu.memory_space<vmem>>, vector<1x16xf32>,
      %parallel_loop3A_364 = vector.shape_cast %parallel_loop3A_363 : vector<1x16xf32> to vector<16xf32>
      %parallel_loop3A_365 = arith.constant 0 : i32
      %parallel_loop3A_366 = arith.index_cast %parallel_loop3A_365 : i32 to index
      %parallel_loop3A_367 = arith.index_cast %parallel_loop3A_349 : i32 to index
      %parallel_loop3A_368 = arith.constant 16 : index
      %parallel_loop3A_369 = tpu.vector_load %arg7[%parallel_loop3A_366, %parallel_loop3A_367, %parallel_loop3A_368] {strides = array<i32>} : memref<4x64x128xf32, #tpu.memory_space<vmem>>, vector<1x1x16xf32>,
      %parallel_loop3A_370 = vector.shape_cast %parallel_loop3A_369 : vector<1x1x16xf32> to vector<16xf32>
      %parallel_loop3A_371 = vector.shape_cast %parallel_loop3A_364 : vector<16xf32> to vector<1x1x16xf32>
      tpu.vector_store %arg7[%parallel_loop3A_366, %parallel_loop3A_367, %parallel_loop3A_368], %parallel_loop3A_371 {add = true, strides = array<i32>} : memref<4x64x128xf32, #tpu.memory_space<vmem>>, vector<1x1x16xf32>,
      %parallel_loop3A_372 = arith.index_cast %parallel_loop3A_349 : i32 to index
      %parallel_loop3A_373 = arith.constant 32 : index
      %parallel_loop3A_374 = tpu.vector_load %arg8[%parallel_loop3A_372, %parallel_loop3A_373] {strides = array<i32>} : memref<64x128xf32, #tpu.memory_space<vmem>>, vector<1x16xf32>,
      %parallel_loop3A_375 = vector.shape_cast %parallel_loop3A_374 : vector<1x16xf32> to vector<16xf32>
      %parallel_loop3A_376 = arith.constant 0 : i32
      %parallel_loop3A_377 = arith.index_cast %parallel_loop3A_376 : i32 to index
      %parallel_loop3A_378 = arith.index_cast %parallel_loop3A_349 : i32 to index
      %parallel_loop3A_379 = arith.constant 32 : index
      %parallel_loop3A_380 = tpu.vector_load %arg7[%parallel_loop3A_377, %parallel_loop3A_378, %parallel_loop3A_379] {strides = array<i32>} : memref<4x64x128xf32, #tpu.memory_space<vmem>>, vector<1x1x16xf32>,
      %parallel_loop3A_381 = vector.shape_cast %parallel_loop3A_380 : vector<1x1x16xf32> to vector<16xf32>
      %parallel_loop3A_382 = vector.shape_cast %parallel_loop3A_375 : vector<16xf32> to vector<1x1x16xf32>
      tpu.vector_store %arg7[%parallel_loop3A_377, %parallel_loop3A_378, %parallel_loop3A_379], %parallel_loop3A_382 {add = true, strides = array<i32>} : memref<4x64x128xf32, #tpu.memory_space<vmem>>, vector<1x1x16xf32>,
      %parallel_loop3A_383 = arith.index_cast %parallel_loop3A_349 : i32 to index
      %parallel_loop3A_384 = arith.constant 48 : index
      %parallel_loop3A_385 = tpu.vector_load %arg8[%parallel_loop3A_383, %parallel_loop3A_384] {strides = array<i32>} : memref<64x128xf32, #tpu.memory_space<vmem>>, vector<1x16xf32>,
      %parallel_loop3A_386 = vector.shape_cast %parallel_loop3A_385 : vector<1x16xf32> to vector<16xf32>
      %parallel_loop3A_387 = arith.constant 0 : i32
      %parallel_loop3A_388 = arith.index_cast %parallel_loop3A_387 : i32 to index
      %parallel_loop3A_389 = arith.index_cast %parallel_loop3A_349 : i32 to index
      %parallel_loop3A_390 = arith.constant 48 : index
      %parallel_loop3A_391 = tpu.vector_load %arg7[%parallel_loop3A_388, %parallel_loop3A_389, %parallel_loop3A_390] {strides = array<i32>} : memref<4x64x128xf32, #tpu.memory_space<vmem>>, vector<1x1x16xf32>,
      %parallel_loop3A_392 = vector.shape_cast %parallel_loop3A_391 : vector<1x1x16xf32> to vector<16xf32>
      %parallel_loop3A_393 = vector.shape_cast %parallel_loop3A_386 : vector<16xf32> to vector<1x1x16xf32>
      tpu.vector_store %arg7[%parallel_loop3A_388, %parallel_loop3A_389, %parallel_loop3A_390], %parallel_loop3A_393 {add = true, strides = array<i32>} : memref<4x64x128xf32, #tpu.memory_space<vmem>>, vector<1x1x16xf32>,
      %parallel_loop3A_394 = arith.index_cast %parallel_loop3A_349 : i32 to index
      %parallel_loop3A_395 = arith.constant 64 : index
      %parallel_loop3A_396 = tpu.vector_load %arg8[%parallel_loop3A_394, %parallel_loop3A_395] {strides = array<i32>} : memref<64x128xf32, #tpu.memory_space<vmem>>, vector<1x16xf32>,
      %parallel_loop3A_397 = vector.shape_cast %parallel_loop3A_396 : vector<1x16xf32> to vector<16xf32>
      %parallel_loop3A_398 = arith.constant 0 : i32
      %parallel_loop3A_399 = arith.index_cast %parallel_loop3A_398 : i32 to index
      %parallel_loop3A_400 = arith.index_cast %parallel_loop3A_349 : i32 to index
      %parallel_loop3A_401 = arith.constant 64 : index
      %parallel_loop3A_402 = tpu.vector_load %arg7[%parallel_loop3A_399, %parallel_loop3A_400, %parallel_loop3A_401] {strides = array<i32>} : memref<4x64x128xf32, #tpu.memory_space<vmem>>, vector<1x1x16xf32>,
      %parallel_loop3A_403 = vector.shape_cast %parallel_loop3A_402 : vector<1x1x16xf32> to vector<16xf32>
      %parallel_loop3A_404 = vector.shape_cast %parallel_loop3A_397 : vector<16xf32> to vector<1x1x16xf32>
      tpu.vector_store %arg7[%parallel_loop3A_399, %parallel_loop3A_400, %parallel_loop3A_401], %parallel_loop3A_404 {add = true, strides = array<i32>} : memref<4x64x128xf32, #tpu.memory_space<vmem>>, vector<1x1x16xf32>,
      %parallel_loop3A_405 = arith.index_cast %parallel_loop3A_349 : i32 to index
      %parallel_loop3A_406 = arith.constant 80 : index
      %parallel_loop3A_407 = tpu.vector_load %arg8[%parallel_loop3A_405, %parallel_loop3A_406] {strides = array<i32>} : memref<64x128xf32, #tpu.memory_space<vmem>>, vector<1x16xf32>,
      %parallel_loop3A_408 = vector.shape_cast %parallel_loop3A_407 : vector<1x16xf32> to vector<16xf32>
      %parallel_loop3A_409 = arith.constant 0 : i32
      %parallel_loop3A_410 = arith.index_cast %parallel_loop3A_409 : i32 to index
      %parallel_loop3A_411 = arith.index_cast %parallel_loop3A_349 : i32 to index
      %parallel_loop3A_412 = arith.constant 80 : index
      %parallel_loop3A_413 = tpu.vector_load %arg7[%parallel_loop3A_410, %parallel_loop3A_411, %parallel_loop3A_412] {strides = array<i32>} : memref<4x64x128xf32, #tpu.memory_space<vmem>>, vector<1x1x16xf32>,
      %parallel_loop3A_414 = vector.shape_cast %parallel_loop3A_413 : vector<1x1x16xf32> to vector<16xf32>
      %parallel_loop3A_415 = vector.shape_cast %parallel_loop3A_408 : vector<16xf32> to vector<1x1x16xf32>
      tpu.vector_store %arg7[%parallel_loop3A_410, %parallel_loop3A_411, %parallel_loop3A_412], %parallel_loop3A_415 {add = true, strides = array<i32>} : memref<4x64x128xf32, #tpu.memory_space<vmem>>, vector<1x1x16xf32>,
      %parallel_loop3A_416 = arith.index_cast %parallel_loop3A_349 : i32 to index
      %parallel_loop3A_417 = arith.constant 96 : index
      %parallel_loop3A_418 = tpu.vector_load %arg8[%parallel_loop3A_416, %parallel_loop3A_417] {strides = array<i32>} : memref<64x128xf32, #tpu.memory_space<vmem>>, vector<1x16xf32>,
      %parallel_loop3A_419 = vector.shape_cast %parallel_loop3A_418 : vector<1x16xf32> to vector<16xf32>
      %parallel_loop3A_420 = arith.constant 0 : i32
      %parallel_loop3A_421 = arith.index_cast %parallel_loop3A_420 : i32 to index
      %parallel_loop3A_422 = arith.index_cast %parallel_loop3A_349 : i32 to index
      %parallel_loop3A_423 = arith.constant 96 : index
      %parallel_loop3A_424 = tpu.vector_load %arg7[%parallel_loop3A_421, %parallel_loop3A_422, %parallel_loop3A_423] {strides = array<i32>} : memref<4x64x128xf32, #tpu.memory_space<vmem>>, vector<1x1x16xf32>,
      %parallel_loop3A_425 = vector.shape_cast %parallel_loop3A_424 : vector<1x1x16xf32> to vector<16xf32>
      %parallel_loop3A_426 = vector.shape_cast %parallel_loop3A_419 : vector<16xf32> to vector<1x1x16xf32>
      tpu.vector_store %arg7[%parallel_loop3A_421, %parallel_loop3A_422, %parallel_loop3A_423], %parallel_loop3A_426 {add = true, strides = array<i32>} : memref<4x64x128xf32, #tpu.memory_space<vmem>>, vector<1x1x16xf32>,
      %parallel_loop3A_427 = arith.index_cast %parallel_loop3A_349 : i32 to index
      %parallel_loop3A_428 = arith.constant 112 : index
      %parallel_loop3A_429 = tpu.vector_load %arg8[%parallel_loop3A_427, %parallel_loop3A_428] {strides = array<i32>} : memref<64x128xf32, #tpu.memory_space<vmem>>, vector<1x16xf32>,
      %parallel_loop3A_430 = vector.shape_cast %parallel_loop3A_429 : vector<1x16xf32> to vector<16xf32>
      %parallel_loop3A_431 = arith.constant 0 : i32
      %parallel_loop3A_432 = arith.index_cast %parallel_loop3A_431 : i32 to index
      %parallel_loop3A_433 = arith.index_cast %parallel_loop3A_349 : i32 to index
      %parallel_loop3A_434 = arith.constant 112 : index
      %parallel_loop3A_435 = tpu.vector_load %arg7[%parallel_loop3A_432, %parallel_loop3A_433, %parallel_loop3A_434] {strides = array<i32>} : memref<4x64x128xf32, #tpu.memory_space<vmem>>, vector<1x1x16xf32>,
      %parallel_loop3A_436 = vector.shape_cast %parallel_loop3A_435 : vector<1x1x16xf32> to vector<16xf32>
      %parallel_loop3A_437 = vector.shape_cast %parallel_loop3A_430 : vector<16xf32> to vector<1x1x16xf32>
      tpu.vector_store %arg7[%parallel_loop3A_432, %parallel_loop3A_433, %parallel_loop3A_434], %parallel_loop3A_437 {add = true, strides = array<i32>} : memref<4x64x128xf32, #tpu.memory_space<vmem>>, vector<1x1x16xf32>,
    } {sc.loop_unroll_factor = 1 : i64, sc.parallel_access}
    %dma_wait3A_179 = arith.constant 0 : i32
    %dma_wait3A_180 = arith.constant 0 : i32
    %dma_wait3A_181 = arith.constant 32 : i32
    %dma_wait3A_182 = arith.constant 0 : i32
    %dma_wait3A_183 = tpu.memref_slice %arg7[%dma_wait3A_180, %dma_wait3A_181, %dma_wait3A_182] : memref<4x64x128xf32, #tpu.memory_space<vmem>> -> memref<1x32x128xf32, #tpu.memory_space<vmem>>
    %dma_wait3A_184 = tpu.memref_squeeze %dma_wait3A_183 : memref<1x32x128xf32, #tpu.memory_space<vmem>> -> memref<32x128xf32, #tpu.memory_space<vmem>>
    %dma_wait3A_185 = arith.constant 32 : i32
    %dma_wait3A_186 = tpu.memref_slice %arg6[%dma_wait3A_179, %dma_wait3A_185] : memref<4x64xi32, #tpu.memory_space<vmem>> -> memref<1x32xi32, #tpu.memory_space<vmem>>
    %dma_wait3A_187 = tpu.memref_squeeze %dma_wait3A_186 : memref<1x32xi32, #tpu.memory_space<vmem>> -> memref<32xi32, #tpu.memory_space<vmem>>
    %dma_wait3A_188 = arith.constant 0 : i32
    %dma_wait3A_189 = arith.constant 0 : i32
    %dma_wait3A_190 = tpu.memref_slice %arg3[%dma_wait3A_188, %dma_wait3A_189] : memref<100000x128xf32, #tpu.memory_space<hbm>> -> memref<100000x128xf32, #tpu.memory_space<hbm>>
    tpu.wait_indirect_dma semaphore(%arg10 : memref<!tpu.dma_semaphore, #tpu.memory_space<semaphore_mem>>) src(%dma_wait3A_190 : memref<100000x128xf32, #tpu.memory_space<hbm>>) dst(%dma_wait3A_184 : memref<32x128xf32, #tpu.memory_space<vmem>>)
    %parallel_loop3A_191 = arith.constant 32 : i32
    %parallel_loop3A_192 = arith.constant 64 : i32
    %parallel_loop3A_193 = arith.constant 1 : i32
    scf.for %parallel_loop3A_349 = %parallel_loop3A_191 to %parallel_loop3A_192 step %parallel_loop3A_193  : i32 {
      %parallel_loop3A_350 = arith.index_cast %parallel_loop3A_349 : i32 to index
      %parallel_loop3A_351 = arith.constant 0 : index
      %parallel_loop3A_352 = tpu.vector_load %arg8[%parallel_loop3A_350, %parallel_loop3A_351] {strides = array<i32>} : memref<64x128xf32, #tpu.memory_space<vmem>>, vector<1x16xf32>,
      %parallel_loop3A_353 = vector.shape_cast %parallel_loop3A_352 : vector<1x16xf32> to vector<16xf32>
      %parallel_loop3A_354 = arith.constant 0 : i32
      %parallel_loop3A_355 = arith.index_cast %parallel_loop3A_354 : i32 to index
      %parallel_loop3A_356 = arith.index_cast %parallel_loop3A_349 : i32 to index
      %parallel_loop3A_357 = arith.constant 0 : index
      %parallel_loop3A_358 = tpu.vector_load %arg7[%parallel_loop3A_355, %parallel_loop3A_356, %parallel_loop3A_357] {strides = array<i32>} : memref<4x64x128xf32, #tpu.memory_space<vmem>>, vector<1x1x16xf32>,
      %parallel_loop3A_359 = vector.shape_cast %parallel_loop3A_358 : vector<1x1x16xf32> to vector<16xf32>
      %parallel_loop3A_360 = vector.shape_cast %parallel_loop3A_353 : vector<16xf32> to vector<1x1x16xf32>
      tpu.vector_store %arg7[%parallel_loop3A_355, %parallel_loop3A_356, %parallel_loop3A_357], %parallel_loop3A_360 {add = true, strides = array<i32>} : memref<4x64x128xf32, #tpu.memory_space<vmem>>, vector<1x1x16xf32>,
      %parallel_loop3A_361 = arith.index_cast %parallel_loop3A_349 : i32 to index
      %parallel_loop3A_362 = arith.constant 16 : index
      %parallel_loop3A_363 = tpu.vector_load %arg8[%parallel_loop3A_361, %parallel_loop3A_362] {strides = array<i32>} : memref<64x128xf32, #tpu.memory_space<vmem>>, vector<1x16xf32>,
      %parallel_loop3A_364 = vector.shape_cast %parallel_loop3A_363 : vector<1x16xf32> to vector<16xf32>
      %parallel_loop3A_365 = arith.constant 0 : i32
      %parallel_loop3A_366 = arith.index_cast %parallel_loop3A_365 : i32 to index
      %parallel_loop3A_367 = arith.index_cast %parallel_loop3A_349 : i32 to index
      %parallel_loop3A_368 = arith.constant 16 : index
      %parallel_loop3A_369 = tpu.vector_load %arg7[%parallel_loop3A_366, %parallel_loop3A_367, %parallel_loop3A_368] {strides = array<i32>} : memref<4x64x128xf32, #tpu.memory_space<vmem>>, vector<1x1x16xf32>,
      %parallel_loop3A_370 = vector.shape_cast %parallel_loop3A_369 : vector<1x1x16xf32> to vector<16xf32>
      %parallel_loop3A_371 = vector.shape_cast %parallel_loop3A_364 : vector<16xf32> to vector<1x1x16xf32>
      tpu.vector_store %arg7[%parallel_loop3A_366, %parallel_loop3A_367, %parallel_loop3A_368], %parallel_loop3A_371 {add = true, strides = array<i32>} : memref<4x64x128xf32, #tpu.memory_space<vmem>>, vector<1x1x16xf32>,
      %parallel_loop3A_372 = arith.index_cast %parallel_loop3A_349 : i32 to index
      %parallel_loop3A_373 = arith.constant 32 : index
      %parallel_loop3A_374 = tpu.vector_load %arg8[%parallel_loop3A_372, %parallel_loop3A_373] {strides = array<i32>} : memref<64x128xf32, #tpu.memory_space<vmem>>, vector<1x16xf32>,
      %parallel_loop3A_375 = vector.shape_cast %parallel_loop3A_374 : vector<1x16xf32> to vector<16xf32>
      %parallel_loop3A_376 = arith.constant 0 : i32
      %parallel_loop3A_377 = arith.index_cast %parallel_loop3A_376 : i32 to index
      %parallel_loop3A_378 = arith.index_cast %parallel_loop3A_349 : i32 to index
      %parallel_loop3A_379 = arith.constant 32 : index
      %parallel_loop3A_380 = tpu.vector_load %arg7[%parallel_loop3A_377, %parallel_loop3A_378, %parallel_loop3A_379] {strides = array<i32>} : memref<4x64x128xf32, #tpu.memory_space<vmem>>, vector<1x1x16xf32>,
      %parallel_loop3A_381 = vector.shape_cast %parallel_loop3A_380 : vector<1x1x16xf32> to vector<16xf32>
      %parallel_loop3A_382 = vector.shape_cast %parallel_loop3A_375 : vector<16xf32> to vector<1x1x16xf32>
      tpu.vector_store %arg7[%parallel_loop3A_377, %parallel_loop3A_378, %parallel_loop3A_379], %parallel_loop3A_382 {add = true, strides = array<i32>} : memref<4x64x128xf32, #tpu.memory_space<vmem>>, vector<1x1x16xf32>,
      %parallel_loop3A_383 = arith.index_cast %parallel_loop3A_349 : i32 to index
      %parallel_loop3A_384 = arith.constant 48 : index
      %parallel_loop3A_385 = tpu.vector_load %arg8[%parallel_loop3A_383, %parallel_loop3A_384] {strides = array<i32>} : memref<64x128xf32, #tpu.memory_space<vmem>>, vector<1x16xf32>,
      %parallel_loop3A_386 = vector.shape_cast %parallel_loop3A_385 : vector<1x16xf32> to vector<16xf32>
      %parallel_loop3A_387 = arith.constant 0 : i32
      %parallel_loop3A_388 = arith.index_cast %parallel_loop3A_387 : i32 to index
      %parallel_loop3A_389 = arith.index_cast %parallel_loop3A_349 : i32 to index
      %parallel_loop3A_390 = arith.constant 48 : index
      %parallel_loop3A_391 = tpu.vector_load %arg7[%parallel_loop3A_388, %parallel_loop3A_389, %parallel_loop3A_390] {strides = array<i32>} : memref<4x64x128xf32, #tpu.memory_space<vmem>>, vector<1x1x16xf32>,
      %parallel_loop3A_392 = vector.shape_cast %parallel_loop3A_391 : vector<1x1x16xf32> to vector<16xf32>
      %parallel_loop3A_393 = vector.shape_cast %parallel_loop3A_386 : vector<16xf32> to vector<1x1x16xf32>
      tpu.vector_store %arg7[%parallel_loop3A_388, %parallel_loop3A_389, %parallel_loop3A_390], %parallel_loop3A_393 {add = true, strides = array<i32>} : memref<4x64x128xf32, #tpu.memory_space<vmem>>, vector<1x1x16xf32>,
      %parallel_loop3A_394 = arith.index_cast %parallel_loop3A_349 : i32 to index
      %parallel_loop3A_395 = arith.constant 64 : index
      %parallel_loop3A_396 = tpu.vector_load %arg8[%parallel_loop3A_394, %parallel_loop3A_395] {strides = array<i32>} : memref<64x128xf32, #tpu.memory_space<vmem>>, vector<1x16xf32>,
      %parallel_loop3A_397 = vector.shape_cast %parallel_loop3A_396 : vector<1x16xf32> to vector<16xf32>
      %parallel_loop3A_398 = arith.constant 0 : i32
      %parallel_loop3A_399 = arith.index_cast %parallel_loop3A_398 : i32 to index
      %parallel_loop3A_400 = arith.index_cast %parallel_loop3A_349 : i32 to index
      %parallel_loop3A_401 = arith.constant 64 : index
      %parallel_loop3A_402 = tpu.vector_load %arg7[%parallel_loop3A_399, %parallel_loop3A_400, %parallel_loop3A_401] {strides = array<i32>} : memref<4x64x128xf32, #tpu.memory_space<vmem>>, vector<1x1x16xf32>,
      %parallel_loop3A_403 = vector.shape_cast %parallel_loop3A_402 : vector<1x1x16xf32> to vector<16xf32>
      %parallel_loop3A_404 = vector.shape_cast %parallel_loop3A_397 : vector<16xf32> to vector<1x1x16xf32>
      tpu.vector_store %arg7[%parallel_loop3A_399, %parallel_loop3A_400, %parallel_loop3A_401], %parallel_loop3A_404 {add = true, strides = array<i32>} : memref<4x64x128xf32, #tpu.memory_space<vmem>>, vector<1x1x16xf32>,
      %parallel_loop3A_405 = arith.index_cast %parallel_loop3A_349 : i32 to index
      %parallel_loop3A_406 = arith.constant 80 : index
      %parallel_loop3A_407 = tpu.vector_load %arg8[%parallel_loop3A_405, %parallel_loop3A_406] {strides = array<i32>} : memref<64x128xf32, #tpu.memory_space<vmem>>, vector<1x16xf32>,
      %parallel_loop3A_408 = vector.shape_cast %parallel_loop3A_407 : vector<1x16xf32> to vector<16xf32>
      %parallel_loop3A_409 = arith.constant 0 : i32
      %parallel_loop3A_410 = arith.index_cast %parallel_loop3A_409 : i32 to index
      %parallel_loop3A_411 = arith.index_cast %parallel_loop3A_349 : i32 to index
      %parallel_loop3A_412 = arith.constant 80 : index
      %parallel_loop3A_413 = tpu.vector_load %arg7[%parallel_loop3A_410, %parallel_loop3A_411, %parallel_loop3A_412] {strides = array<i32>} : memref<4x64x128xf32, #tpu.memory_space<vmem>>, vector<1x1x16xf32>,
      %parallel_loop3A_414 = vector.shape_cast %parallel_loop3A_413 : vector<1x1x16xf32> to vector<16xf32>
      %parallel_loop3A_415 = vector.shape_cast %parallel_loop3A_408 : vector<16xf32> to vector<1x1x16xf32>
      tpu.vector_store %arg7[%parallel_loop3A_410, %parallel_loop3A_411, %parallel_loop3A_412], %parallel_loop3A_415 {add = true, strides = array<i32>} : memref<4x64x128xf32, #tpu.memory_space<vmem>>, vector<1x1x16xf32>,
      %parallel_loop3A_416 = arith.index_cast %parallel_loop3A_349 : i32 to index
      %parallel_loop3A_417 = arith.constant 96 : index
      %parallel_loop3A_418 = tpu.vector_load %arg8[%parallel_loop3A_416, %parallel_loop3A_417] {strides = array<i32>} : memref<64x128xf32, #tpu.memory_space<vmem>>, vector<1x16xf32>,
      %parallel_loop3A_419 = vector.shape_cast %parallel_loop3A_418 : vector<1x16xf32> to vector<16xf32>
      %parallel_loop3A_420 = arith.constant 0 : i32
      %parallel_loop3A_421 = arith.index_cast %parallel_loop3A_420 : i32 to index
      %parallel_loop3A_422 = arith.index_cast %parallel_loop3A_349 : i32 to index
      %parallel_loop3A_423 = arith.constant 96 : index
      %parallel_loop3A_424 = tpu.vector_load %arg7[%parallel_loop3A_421, %parallel_loop3A_422, %parallel_loop3A_423] {strides = array<i32>} : memref<4x64x128xf32, #tpu.memory_space<vmem>>, vector<1x1x16xf32>,
      %parallel_loop3A_425 = vector.shape_cast %parallel_loop3A_424 : vector<1x1x16xf32> to vector<16xf32>
      %parallel_loop3A_426 = vector.shape_cast %parallel_loop3A_419 : vector<16xf32> to vector<1x1x16xf32>
      tpu.vector_store %arg7[%parallel_loop3A_421, %parallel_loop3A_422, %parallel_loop3A_423], %parallel_loop3A_426 {add = true, strides = array<i32>} : memref<4x64x128xf32, #tpu.memory_space<vmem>>, vector<1x1x16xf32>,
      %parallel_loop3A_427 = arith.index_cast %parallel_loop3A_349 : i32 to index
      %parallel_loop3A_428 = arith.constant 112 : index
      %parallel_loop3A_429 = tpu.vector_load %arg8[%parallel_loop3A_427, %parallel_loop3A_428] {strides = array<i32>} : memref<64x128xf32, #tpu.memory_space<vmem>>, vector<1x16xf32>,
      %parallel_loop3A_430 = vector.shape_cast %parallel_loop3A_429 : vector<1x16xf32> to vector<16xf32>
      %parallel_loop3A_431 = arith.constant 0 : i32
      %parallel_loop3A_432 = arith.index_cast %parallel_loop3A_431 : i32 to index
      %parallel_loop3A_433 = arith.index_cast %parallel_loop3A_349 : i32 to index
      %parallel_loop3A_434 = arith.constant 112 : index
      %parallel_loop3A_435 = tpu.vector_load %arg7[%parallel_loop3A_432, %parallel_loop3A_433, %parallel_loop3A_434] {strides = array<i32>} : memref<4x64x128xf32, #tpu.memory_space<vmem>>, vector<1x1x16xf32>,
      %parallel_loop3A_436 = vector.shape_cast %parallel_loop3A_435 : vector<1x1x16xf32> to vector<16xf32>
      %parallel_loop3A_437 = vector.shape_cast %parallel_loop3A_430 : vector<16xf32> to vector<1x1x16xf32>
      tpu.vector_store %arg7[%parallel_loop3A_432, %parallel_loop3A_433, %parallel_loop3A_434], %parallel_loop3A_437 {add = true, strides = array<i32>} : memref<4x64x128xf32, #tpu.memory_space<vmem>>, vector<1x1x16xf32>,
    } {sc.loop_unroll_factor = 1 : i64, sc.parallel_access}
    %dma_start3A_194 = arith.constant 0 : i32
    %dma_start3A_195 = arith.constant 0 : i32
    %dma_start3A_196 = arith.constant 0 : i32
    %dma_start3A_197 = tpu.memref_slice %arg7[%dma_start3A_194, %dma_start3A_195, %dma_start3A_196] : memref<4x64x128xf32, #tpu.memory_space<vmem>> -> memref<1x64x128xf32, #tpu.memory_space<vmem>>
    %dma_start3A_198 = tpu.memref_squeeze %dma_start3A_197 : memref<1x64x128xf32, #tpu.memory_space<vmem>> -> memref<64x128xf32, #tpu.memory_space<vmem>>
    %dma_start3A_199 = arith.constant 0 : i32
    %dma_start3A_200 = tpu.memref_slice %arg5[%mul3A_2, %dma_start3A_199] : memref<8192x128xf32, #tpu.memory_space<hbm>> -> memref<64x128xf32, #tpu.memory_space<hbm>>
    %dma_start3A_201 = arith.constant 0 : i32
    %dma_start3A_202 = tpu.memref_slice %arg5[%mul3A_2, %dma_start3A_201] : memref<8192x128xf32, #tpu.memory_space<hbm>> -> memref<64x128xf32, #tpu.memory_space<hbm>>
    %dma_start3A_203 = arith.constant 0 : i32
    %dma_start3A_204 = arith.constant 0 : i32
    %dma_start3A_205 = tpu.memref_slice %arg7[%dma_start3A_194, %dma_start3A_203, %dma_start3A_204] : memref<4x64x128xf32, #tpu.memory_space<vmem>> -> memref<1x64x128xf32, #tpu.memory_space<vmem>>
    %dma_start3A_206 = tpu.memref_squeeze %dma_start3A_205 : memref<1x64x128xf32, #tpu.memory_space<vmem>> -> memref<64x128xf32, #tpu.memory_space<vmem>>
    tpu.enqueue_dma source(%dma_start3A_206 : memref<64x128xf32, #tpu.memory_space<vmem>>) target(%dma_start3A_202 : memref<64x128xf32, #tpu.memory_space<hbm>>) target_semaphore(%arg15 : memref<!tpu.dma_semaphore, #tpu.memory_space<semaphore_mem>>)
    %dma_wait3A_207 = arith.constant 1 : i32
    %dma_wait3A_208 = arith.constant 1 : i32
    %dma_wait3A_209 = arith.constant 0 : i32
    %dma_wait3A_210 = arith.constant 0 : i32
    %dma_wait3A_211 = tpu.memref_slice %arg7[%dma_wait3A_208, %dma_wait3A_209, %dma_wait3A_210] : memref<4x64x128xf32, #tpu.memory_space<vmem>> -> memref<1x64x128xf32, #tpu.memory_space<vmem>>
    %dma_wait3A_212 = tpu.memref_squeeze %dma_wait3A_211 : memref<1x64x128xf32, #tpu.memory_space<vmem>> -> memref<64x128xf32, #tpu.memory_space<vmem>>
    %dma_wait3A_213 = arith.constant 0 : i32
    %dma_wait3A_214 = tpu.memref_slice %arg6[%dma_wait3A_207, %dma_wait3A_213] : memref<4x64xi32, #tpu.memory_space<vmem>> -> memref<1x64xi32, #tpu.memory_space<vmem>>
    %dma_wait3A_215 = tpu.memref_squeeze %dma_wait3A_214 : memref<1x64xi32, #tpu.memory_space<vmem>> -> memref<64xi32, #tpu.memory_space<vmem>>
    %dma_wait3A_216 = arith.constant 0 : i32
    %dma_wait3A_217 = arith.constant 0 : i32
    %dma_wait3A_218 = tpu.memref_slice %arg3[%dma_wait3A_216, %dma_wait3A_217] : memref<100000x128xf32, #tpu.memory_space<hbm>> -> memref<100000x128xf32, #tpu.memory_space<hbm>>
    tpu.wait_indirect_dma semaphore(%arg11 : memref<!tpu.dma_semaphore, #tpu.memory_space<semaphore_mem>>) src(%dma_wait3A_218 : memref<100000x128xf32, #tpu.memory_space<hbm>>) dst(%dma_wait3A_212 : memref<64x128xf32, #tpu.memory_space<vmem>>)
    %parallel_loop3A_219 = arith.constant 0 : i32
    %parallel_loop3A_220 = arith.constant 64 : i32
    %parallel_loop3A_221 = arith.constant 1 : i32
    scf.for %parallel_loop3A_349 = %parallel_loop3A_219 to %parallel_loop3A_220 step %parallel_loop3A_221  : i32 {
      %parallel_loop3A_350 = arith.index_cast %parallel_loop3A_349 : i32 to index
      %parallel_loop3A_351 = arith.constant 0 : index
      %parallel_loop3A_352 = tpu.vector_load %arg8[%parallel_loop3A_350, %parallel_loop3A_351] {strides = array<i32>} : memref<64x128xf32, #tpu.memory_space<vmem>>, vector<1x16xf32>,
      %parallel_loop3A_353 = vector.shape_cast %parallel_loop3A_352 : vector<1x16xf32> to vector<16xf32>
      %parallel_loop3A_354 = arith.constant 1 : i32
      %parallel_loop3A_355 = arith.index_cast %parallel_loop3A_354 : i32 to index
      %parallel_loop3A_356 = arith.index_cast %parallel_loop3A_349 : i32 to index
      %parallel_loop3A_357 = arith.constant 0 : index
      %parallel_loop3A_358 = tpu.vector_load %arg7[%parallel_loop3A_355, %parallel_loop3A_356, %parallel_loop3A_357] {strides = array<i32>} : memref<4x64x128xf32, #tpu.memory_space<vmem>>, vector<1x1x16xf32>,
      %parallel_loop3A_359 = vector.shape_cast %parallel_loop3A_358 : vector<1x1x16xf32> to vector<16xf32>
      %parallel_loop3A_360 = vector.shape_cast %parallel_loop3A_353 : vector<16xf32> to vector<1x1x16xf32>
      tpu.vector_store %arg7[%parallel_loop3A_355, %parallel_loop3A_356, %parallel_loop3A_357], %parallel_loop3A_360 {add = true, strides = array<i32>} : memref<4x64x128xf32, #tpu.memory_space<vmem>>, vector<1x1x16xf32>,
      %parallel_loop3A_361 = arith.index_cast %parallel_loop3A_349 : i32 to index
      %parallel_loop3A_362 = arith.constant 16 : index
      %parallel_loop3A_363 = tpu.vector_load %arg8[%parallel_loop3A_361, %parallel_loop3A_362] {strides = array<i32>} : memref<64x128xf32, #tpu.memory_space<vmem>>, vector<1x16xf32>,
      %parallel_loop3A_364 = vector.shape_cast %parallel_loop3A_363 : vector<1x16xf32> to vector<16xf32>
      %parallel_loop3A_365 = arith.constant 1 : i32
      %parallel_loop3A_366 = arith.index_cast %parallel_loop3A_365 : i32 to index
      %parallel_loop3A_367 = arith.index_cast %parallel_loop3A_349 : i32 to index
      %parallel_loop3A_368 = arith.constant 16 : index
      %parallel_loop3A_369 = tpu.vector_load %arg7[%parallel_loop3A_366, %parallel_loop3A_367, %parallel_loop3A_368] {strides = array<i32>} : memref<4x64x128xf32, #tpu.memory_space<vmem>>, vector<1x1x16xf32>,
      %parallel_loop3A_370 = vector.shape_cast %parallel_loop3A_369 : vector<1x1x16xf32> to vector<16xf32>
      %parallel_loop3A_371 = vector.shape_cast %parallel_loop3A_364 : vector<16xf32> to vector<1x1x16xf32>
      tpu.vector_store %arg7[%parallel_loop3A_366, %parallel_loop3A_367, %parallel_loop3A_368], %parallel_loop3A_371 {add = true, strides = array<i32>} : memref<4x64x128xf32, #tpu.memory_space<vmem>>, vector<1x1x16xf32>,
      %parallel_loop3A_372 = arith.index_cast %parallel_loop3A_349 : i32 to index
      %parallel_loop3A_373 = arith.constant 32 : index
      %parallel_loop3A_374 = tpu.vector_load %arg8[%parallel_loop3A_372, %parallel_loop3A_373] {strides = array<i32>} : memref<64x128xf32, #tpu.memory_space<vmem>>, vector<1x16xf32>,
      %parallel_loop3A_375 = vector.shape_cast %parallel_loop3A_374 : vector<1x16xf32> to vector<16xf32>
      %parallel_loop3A_376 = arith.constant 1 : i32
      %parallel_loop3A_377 = arith.index_cast %parallel_loop3A_376 : i32 to index
      %parallel_loop3A_378 = arith.index_cast %parallel_loop3A_349 : i32 to index
      %parallel_loop3A_379 = arith.constant 32 : index
      %parallel_loop3A_380 = tpu.vector_load %arg7[%parallel_loop3A_377, %parallel_loop3A_378, %parallel_loop3A_379] {strides = array<i32>} : memref<4x64x128xf32, #tpu.memory_space<vmem>>, vector<1x1x16xf32>,
      %parallel_loop3A_381 = vector.shape_cast %parallel_loop3A_380 : vector<1x1x16xf32> to vector<16xf32>
      %parallel_loop3A_382 = vector.shape_cast %parallel_loop3A_375 : vector<16xf32> to vector<1x1x16xf32>
      tpu.vector_store %arg7[%parallel_loop3A_377, %parallel_loop3A_378, %parallel_loop3A_379], %parallel_loop3A_382 {add = true, strides = array<i32>} : memref<4x64x128xf32, #tpu.memory_space<vmem>>, vector<1x1x16xf32>,
      %parallel_loop3A_383 = arith.index_cast %parallel_loop3A_349 : i32 to index
      %parallel_loop3A_384 = arith.constant 48 : index
      %parallel_loop3A_385 = tpu.vector_load %arg8[%parallel_loop3A_383, %parallel_loop3A_384] {strides = array<i32>} : memref<64x128xf32, #tpu.memory_space<vmem>>, vector<1x16xf32>,
      %parallel_loop3A_386 = vector.shape_cast %parallel_loop3A_385 : vector<1x16xf32> to vector<16xf32>
      %parallel_loop3A_387 = arith.constant 1 : i32
      %parallel_loop3A_388 = arith.index_cast %parallel_loop3A_387 : i32 to index
      %parallel_loop3A_389 = arith.index_cast %parallel_loop3A_349 : i32 to index
      %parallel_loop3A_390 = arith.constant 48 : index
      %parallel_loop3A_391 = tpu.vector_load %arg7[%parallel_loop3A_388, %parallel_loop3A_389, %parallel_loop3A_390] {strides = array<i32>} : memref<4x64x128xf32, #tpu.memory_space<vmem>>, vector<1x1x16xf32>,
      %parallel_loop3A_392 = vector.shape_cast %parallel_loop3A_391 : vector<1x1x16xf32> to vector<16xf32>
      %parallel_loop3A_393 = vector.shape_cast %parallel_loop3A_386 : vector<16xf32> to vector<1x1x16xf32>
      tpu.vector_store %arg7[%parallel_loop3A_388, %parallel_loop3A_389, %parallel_loop3A_390], %parallel_loop3A_393 {add = true, strides = array<i32>} : memref<4x64x128xf32, #tpu.memory_space<vmem>>, vector<1x1x16xf32>,
      %parallel_loop3A_394 = arith.index_cast %parallel_loop3A_349 : i32 to index
      %parallel_loop3A_395 = arith.constant 64 : index
      %parallel_loop3A_396 = tpu.vector_load %arg8[%parallel_loop3A_394, %parallel_loop3A_395] {strides = array<i32>} : memref<64x128xf32, #tpu.memory_space<vmem>>, vector<1x16xf32>,
      %parallel_loop3A_397 = vector.shape_cast %parallel_loop3A_396 : vector<1x16xf32> to vector<16xf32>
      %parallel_loop3A_398 = arith.constant 1 : i32
      %parallel_loop3A_399 = arith.index_cast %parallel_loop3A_398 : i32 to index
      %parallel_loop3A_400 = arith.index_cast %parallel_loop3A_349 : i32 to index
      %parallel_loop3A_401 = arith.constant 64 : index
      %parallel_loop3A_402 = tpu.vector_load %arg7[%parallel_loop3A_399, %parallel_loop3A_400, %parallel_loop3A_401] {strides = array<i32>} : memref<4x64x128xf32, #tpu.memory_space<vmem>>, vector<1x1x16xf32>,
      %parallel_loop3A_403 = vector.shape_cast %parallel_loop3A_402 : vector<1x1x16xf32> to vector<16xf32>
      %parallel_loop3A_404 = vector.shape_cast %parallel_loop3A_397 : vector<16xf32> to vector<1x1x16xf32>
      tpu.vector_store %arg7[%parallel_loop3A_399, %parallel_loop3A_400, %parallel_loop3A_401], %parallel_loop3A_404 {add = true, strides = array<i32>} : memref<4x64x128xf32, #tpu.memory_space<vmem>>, vector<1x1x16xf32>,
      %parallel_loop3A_405 = arith.index_cast %parallel_loop3A_349 : i32 to index
      %parallel_loop3A_406 = arith.constant 80 : index
      %parallel_loop3A_407 = tpu.vector_load %arg8[%parallel_loop3A_405, %parallel_loop3A_406] {strides = array<i32>} : memref<64x128xf32, #tpu.memory_space<vmem>>, vector<1x16xf32>,
      %parallel_loop3A_408 = vector.shape_cast %parallel_loop3A_407 : vector<1x16xf32> to vector<16xf32>
      %parallel_loop3A_409 = arith.constant 1 : i32
      %parallel_loop3A_410 = arith.index_cast %parallel_loop3A_409 : i32 to index
      %parallel_loop3A_411 = arith.index_cast %parallel_loop3A_349 : i32 to index
      %parallel_loop3A_412 = arith.constant 80 : index
      %parallel_loop3A_413 = tpu.vector_load %arg7[%parallel_loop3A_410, %parallel_loop3A_411, %parallel_loop3A_412] {strides = array<i32>} : memref<4x64x128xf32, #tpu.memory_space<vmem>>, vector<1x1x16xf32>,
      %parallel_loop3A_414 = vector.shape_cast %parallel_loop3A_413 : vector<1x1x16xf32> to vector<16xf32>
      %parallel_loop3A_415 = vector.shape_cast %parallel_loop3A_408 : vector<16xf32> to vector<1x1x16xf32>
      tpu.vector_store %arg7[%parallel_loop3A_410, %parallel_loop3A_411, %parallel_loop3A_412], %parallel_loop3A_415 {add = true, strides = array<i32>} : memref<4x64x128xf32, #tpu.memory_space<vmem>>, vector<1x1x16xf32>,
      %parallel_loop3A_416 = arith.index_cast %parallel_loop3A_349 : i32 to index
      %parallel_loop3A_417 = arith.constant 96 : index
      %parallel_loop3A_418 = tpu.vector_load %arg8[%parallel_loop3A_416, %parallel_loop3A_417] {strides = array<i32>} : memref<64x128xf32, #tpu.memory_space<vmem>>, vector<1x16xf32>,
      %parallel_loop3A_419 = vector.shape_cast %parallel_loop3A_418 : vector<1x16xf32> to vector<16xf32>
      %parallel_loop3A_420 = arith.constant 1 : i32
      %parallel_loop3A_421 = arith.index_cast %parallel_loop3A_420 : i32 to index
      %parallel_loop3A_422 = arith.index_cast %parallel_loop3A_349 : i32 to index
      %parallel_loop3A_423 = arith.constant 96 : index
      %parallel_loop3A_424 = tpu.vector_load %arg7[%parallel_loop3A_421, %parallel_loop3A_422, %parallel_loop3A_423] {strides = array<i32>} : memref<4x64x128xf32, #tpu.memory_space<vmem>>, vector<1x1x16xf32>,
      %parallel_loop3A_425 = vector.shape_cast %parallel_loop3A_424 : vector<1x1x16xf32> to vector<16xf32>
      %parallel_loop3A_426 = vector.shape_cast %parallel_loop3A_419 : vector<16xf32> to vector<1x1x16xf32>
      tpu.vector_store %arg7[%parallel_loop3A_421, %parallel_loop3A_422, %parallel_loop3A_423], %parallel_loop3A_426 {add = true, strides = array<i32>} : memref<4x64x128xf32, #tpu.memory_space<vmem>>, vector<1x1x16xf32>,
      %parallel_loop3A_427 = arith.index_cast %parallel_loop3A_349 : i32 to index
      %parallel_loop3A_428 = arith.constant 112 : index
      %parallel_loop3A_429 = tpu.vector_load %arg8[%parallel_loop3A_427, %parallel_loop3A_428] {strides = array<i32>} : memref<64x128xf32, #tpu.memory_space<vmem>>, vector<1x16xf32>,
      %parallel_loop3A_430 = vector.shape_cast %parallel_loop3A_429 : vector<1x16xf32> to vector<16xf32>
      %parallel_loop3A_431 = arith.constant 1 : i32
      %parallel_loop3A_432 = arith.index_cast %parallel_loop3A_431 : i32 to index
      %parallel_loop3A_433 = arith.index_cast %parallel_loop3A_349 : i32 to index
      %parallel_loop3A_434 = arith.constant 112 : index
      %parallel_loop3A_435 = tpu.vector_load %arg7[%parallel_loop3A_432, %parallel_loop3A_433, %parallel_loop3A_434] {strides = array<i32>} : memref<4x64x128xf32, #tpu.memory_space<vmem>>, vector<1x1x16xf32>,
      %parallel_loop3A_436 = vector.shape_cast %parallel_loop3A_435 : vector<1x1x16xf32> to vector<16xf32>
      %parallel_loop3A_437 = vector.shape_cast %parallel_loop3A_430 : vector<16xf32> to vector<1x1x16xf32>
      tpu.vector_store %arg7[%parallel_loop3A_432, %parallel_loop3A_433, %parallel_loop3A_434], %parallel_loop3A_437 {add = true, strides = array<i32>} : memref<4x64x128xf32, #tpu.memory_space<vmem>>, vector<1x1x16xf32>,
    } {sc.loop_unroll_factor = 1 : i64, sc.parallel_access}
    %add3A_222 = arith.constant 2048 : i32
    %add3A_223 = arith.addi %add3A_222, %mul3A_2 : i32
    %dma_start3A_224 = arith.constant 1 : i32
    %dma_start3A_225 = arith.constant 0 : i32
    %dma_start3A_226 = arith.constant 0 : i32
    %dma_start3A_227 = tpu.memref_slice %arg7[%dma_start3A_224, %dma_start3A_225, %dma_start3A_226] : memref<4x64x128xf32, #tpu.memory_space<vmem>> -> memref<1x64x128xf32, #tpu.memory_space<vmem>>
    %dma_start3A_228 = tpu.memref_squeeze %dma_start3A_227 : memref<1x64x128xf32, #tpu.memory_space<vmem>> -> memref<64x128xf32, #tpu.memory_space<vmem>>
    %dma_start3A_229 = arith.constant 0 : i32
    %dma_start3A_230 = tpu.memref_slice %arg5[%add3A_223, %dma_start3A_229] : memref<8192x128xf32, #tpu.memory_space<hbm>> -> memref<64x128xf32, #tpu.memory_space<hbm>>
    %dma_start3A_231 = arith.constant 0 : i32
    %dma_start3A_232 = tpu.memref_slice %arg5[%add3A_223, %dma_start3A_231] : memref<8192x128xf32, #tpu.memory_space<hbm>> -> memref<64x128xf32, #tpu.memory_space<hbm>>
    %dma_start3A_233 = arith.constant 0 : i32
    %dma_start3A_234 = arith.constant 0 : i32
    %dma_start3A_235 = tpu.memref_slice %arg7[%dma_start3A_224, %dma_start3A_233, %dma_start3A_234] : memref<4x64x128xf32, #tpu.memory_space<vmem>> -> memref<1x64x128xf32, #tpu.memory_space<vmem>>
    %dma_start3A_236 = tpu.memref_squeeze %dma_start3A_235 : memref<1x64x128xf32, #tpu.memory_space<vmem>> -> memref<64x128xf32, #tpu.memory_space<vmem>>
    tpu.enqueue_dma source(%dma_start3A_236 : memref<64x128xf32, #tpu.memory_space<vmem>>) target(%dma_start3A_232 : memref<64x128xf32, #tpu.memory_space<hbm>>) target_semaphore(%arg15 : memref<!tpu.dma_semaphore, #tpu.memory_space<semaphore_mem>>)
    %dma_wait3A_237 = arith.constant 2 : i32
    %dma_wait3A_238 = arith.constant 2 : i32
    %dma_wait3A_239 = arith.constant 0 : i32
    %dma_wait3A_240 = arith.constant 0 : i32
    %dma_wait3A_241 = tpu.memref_slice %arg7[%dma_wait3A_238, %dma_wait3A_239, %dma_wait3A_240] : memref<4x64x128xf32, #tpu.memory_space<vmem>> -> memref<1x64x128xf32, #tpu.memory_space<vmem>>
    %dma_wait3A_242 = tpu.memref_squeeze %dma_wait3A_241 : memref<1x64x128xf32, #tpu.memory_space<vmem>> -> memref<64x128xf32, #tpu.memory_space<vmem>>
    %dma_wait3A_243 = arith.constant 0 : i32
    %dma_wait3A_244 = tpu.memref_slice %arg6[%dma_wait3A_237, %dma_wait3A_243] : memref<4x64xi32, #tpu.memory_space<vmem>> -> memref<1x64xi32, #tpu.memory_space<vmem>>
    %dma_wait3A_245 = tpu.memref_squeeze %dma_wait3A_244 : memref<1x64xi32, #tpu.memory_space<vmem>> -> memref<64xi32, #tpu.memory_space<vmem>>
    %dma_wait3A_246 = arith.constant 0 : i32
    %dma_wait3A_247 = arith.constant 0 : i32
    %dma_wait3A_248 = tpu.memref_slice %arg3[%dma_wait3A_246, %dma_wait3A_247] : memref<100000x128xf32, #tpu.memory_space<hbm>> -> memref<100000x128xf32, #tpu.memory_space<hbm>>
    tpu.wait_indirect_dma semaphore(%arg12 : memref<!tpu.dma_semaphore, #tpu.memory_space<semaphore_mem>>) src(%dma_wait3A_248 : memref<100000x128xf32, #tpu.memory_space<hbm>>) dst(%dma_wait3A_242 : memref<64x128xf32, #tpu.memory_space<vmem>>)
    %parallel_loop3A_249 = arith.constant 0 : i32
    %parallel_loop3A_250 = arith.constant 64 : i32
    %parallel_loop3A_251 = arith.constant 1 : i32
    scf.for %parallel_loop3A_349 = %parallel_loop3A_249 to %parallel_loop3A_250 step %parallel_loop3A_251  : i32 {
      %parallel_loop3A_350 = arith.index_cast %parallel_loop3A_349 : i32 to index
      %parallel_loop3A_351 = arith.constant 0 : index
      %parallel_loop3A_352 = tpu.vector_load %arg8[%parallel_loop3A_350, %parallel_loop3A_351] {strides = array<i32>} : memref<64x128xf32, #tpu.memory_space<vmem>>, vector<1x16xf32>,
      %parallel_loop3A_353 = vector.shape_cast %parallel_loop3A_352 : vector<1x16xf32> to vector<16xf32>
      %parallel_loop3A_354 = arith.constant 2 : i32
      %parallel_loop3A_355 = arith.index_cast %parallel_loop3A_354 : i32 to index
      %parallel_loop3A_356 = arith.index_cast %parallel_loop3A_349 : i32 to index
      %parallel_loop3A_357 = arith.constant 0 : index
      %parallel_loop3A_358 = tpu.vector_load %arg7[%parallel_loop3A_355, %parallel_loop3A_356, %parallel_loop3A_357] {strides = array<i32>} : memref<4x64x128xf32, #tpu.memory_space<vmem>>, vector<1x1x16xf32>,
      %parallel_loop3A_359 = vector.shape_cast %parallel_loop3A_358 : vector<1x1x16xf32> to vector<16xf32>
      %parallel_loop3A_360 = vector.shape_cast %parallel_loop3A_353 : vector<16xf32> to vector<1x1x16xf32>
      tpu.vector_store %arg7[%parallel_loop3A_355, %parallel_loop3A_356, %parallel_loop3A_357], %parallel_loop3A_360 {add = true, strides = array<i32>} : memref<4x64x128xf32, #tpu.memory_space<vmem>>, vector<1x1x16xf32>,
      %parallel_loop3A_361 = arith.index_cast %parallel_loop3A_349 : i32 to index
      %parallel_loop3A_362 = arith.constant 16 : index
      %parallel_loop3A_363 = tpu.vector_load %arg8[%parallel_loop3A_361, %parallel_loop3A_362] {strides = array<i32>} : memref<64x128xf32, #tpu.memory_space<vmem>>, vector<1x16xf32>,
      %parallel_loop3A_364 = vector.shape_cast %parallel_loop3A_363 : vector<1x16xf32> to vector<16xf32>
      %parallel_loop3A_365 = arith.constant 2 : i32
      %parallel_loop3A_366 = arith.index_cast %parallel_loop3A_365 : i32 to index
      %parallel_loop3A_367 = arith.index_cast %parallel_loop3A_349 : i32 to index
      %parallel_loop3A_368 = arith.constant 16 : index
      %parallel_loop3A_369 = tpu.vector_load %arg7[%parallel_loop3A_366, %parallel_loop3A_367, %parallel_loop3A_368] {strides = array<i32>} : memref<4x64x128xf32, #tpu.memory_space<vmem>>, vector<1x1x16xf32>,
      %parallel_loop3A_370 = vector.shape_cast %parallel_loop3A_369 : vector<1x1x16xf32> to vector<16xf32>
      %parallel_loop3A_371 = vector.shape_cast %parallel_loop3A_364 : vector<16xf32> to vector<1x1x16xf32>
      tpu.vector_store %arg7[%parallel_loop3A_366, %parallel_loop3A_367, %parallel_loop3A_368], %parallel_loop3A_371 {add = true, strides = array<i32>} : memref<4x64x128xf32, #tpu.memory_space<vmem>>, vector<1x1x16xf32>,
      %parallel_loop3A_372 = arith.index_cast %parallel_loop3A_349 : i32 to index
      %parallel_loop3A_373 = arith.constant 32 : index
      %parallel_loop3A_374 = tpu.vector_load %arg8[%parallel_loop3A_372, %parallel_loop3A_373] {strides = array<i32>} : memref<64x128xf32, #tpu.memory_space<vmem>>, vector<1x16xf32>,
      %parallel_loop3A_375 = vector.shape_cast %parallel_loop3A_374 : vector<1x16xf32> to vector<16xf32>
      %parallel_loop3A_376 = arith.constant 2 : i32
      %parallel_loop3A_377 = arith.index_cast %parallel_loop3A_376 : i32 to index
      %parallel_loop3A_378 = arith.index_cast %parallel_loop3A_349 : i32 to index
      %parallel_loop3A_379 = arith.constant 32 : index
      %parallel_loop3A_380 = tpu.vector_load %arg7[%parallel_loop3A_377, %parallel_loop3A_378, %parallel_loop3A_379] {strides = array<i32>} : memref<4x64x128xf32, #tpu.memory_space<vmem>>, vector<1x1x16xf32>,
      %parallel_loop3A_381 = vector.shape_cast %parallel_loop3A_380 : vector<1x1x16xf32> to vector<16xf32>
      %parallel_loop3A_382 = vector.shape_cast %parallel_loop3A_375 : vector<16xf32> to vector<1x1x16xf32>
      tpu.vector_store %arg7[%parallel_loop3A_377, %parallel_loop3A_378, %parallel_loop3A_379], %parallel_loop3A_382 {add = true, strides = array<i32>} : memref<4x64x128xf32, #tpu.memory_space<vmem>>, vector<1x1x16xf32>,
      %parallel_loop3A_383 = arith.index_cast %parallel_loop3A_349 : i32 to index
      %parallel_loop3A_384 = arith.constant 48 : index
      %parallel_loop3A_385 = tpu.vector_load %arg8[%parallel_loop3A_383, %parallel_loop3A_384] {strides = array<i32>} : memref<64x128xf32, #tpu.memory_space<vmem>>, vector<1x16xf32>,
      %parallel_loop3A_386 = vector.shape_cast %parallel_loop3A_385 : vector<1x16xf32> to vector<16xf32>
      %parallel_loop3A_387 = arith.constant 2 : i32
      %parallel_loop3A_388 = arith.index_cast %parallel_loop3A_387 : i32 to index
      %parallel_loop3A_389 = arith.index_cast %parallel_loop3A_349 : i32 to index
      %parallel_loop3A_390 = arith.constant 48 : index
      %parallel_loop3A_391 = tpu.vector_load %arg7[%parallel_loop3A_388, %parallel_loop3A_389, %parallel_loop3A_390] {strides = array<i32>} : memref<4x64x128xf32, #tpu.memory_space<vmem>>, vector<1x1x16xf32>,
      %parallel_loop3A_392 = vector.shape_cast %parallel_loop3A_391 : vector<1x1x16xf32> to vector<16xf32>
      %parallel_loop3A_393 = vector.shape_cast %parallel_loop3A_386 : vector<16xf32> to vector<1x1x16xf32>
      tpu.vector_store %arg7[%parallel_loop3A_388, %parallel_loop3A_389, %parallel_loop3A_390], %parallel_loop3A_393 {add = true, strides = array<i32>} : memref<4x64x128xf32, #tpu.memory_space<vmem>>, vector<1x1x16xf32>,
      %parallel_loop3A_394 = arith.index_cast %parallel_loop3A_349 : i32 to index
      %parallel_loop3A_395 = arith.constant 64 : index
      %parallel_loop3A_396 = tpu.vector_load %arg8[%parallel_loop3A_394, %parallel_loop3A_395] {strides = array<i32>} : memref<64x128xf32, #tpu.memory_space<vmem>>, vector<1x16xf32>,
      %parallel_loop3A_397 = vector.shape_cast %parallel_loop3A_396 : vector<1x16xf32> to vector<16xf32>
      %parallel_loop3A_398 = arith.constant 2 : i32
      %parallel_loop3A_399 = arith.index_cast %parallel_loop3A_398 : i32 to index
      %parallel_loop3A_400 = arith.index_cast %parallel_loop3A_349 : i32 to index
      %parallel_loop3A_401 = arith.constant 64 : index
      %parallel_loop3A_402 = tpu.vector_load %arg7[%parallel_loop3A_399, %parallel_loop3A_400, %parallel_loop3A_401] {strides = array<i32>} : memref<4x64x128xf32, #tpu.memory_space<vmem>>, vector<1x1x16xf32>,
      %parallel_loop3A_403 = vector.shape_cast %parallel_loop3A_402 : vector<1x1x16xf32> to vector<16xf32>
      %parallel_loop3A_404 = vector.shape_cast %parallel_loop3A_397 : vector<16xf32> to vector<1x1x16xf32>
      tpu.vector_store %arg7[%parallel_loop3A_399, %parallel_loop3A_400, %parallel_loop3A_401], %parallel_loop3A_404 {add = true, strides = array<i32>} : memref<4x64x128xf32, #tpu.memory_space<vmem>>, vector<1x1x16xf32>,
      %parallel_loop3A_405 = arith.index_cast %parallel_loop3A_349 : i32 to index
      %parallel_loop3A_406 = arith.constant 80 : index
      %parallel_loop3A_407 = tpu.vector_load %arg8[%parallel_loop3A_405, %parallel_loop3A_406] {strides = array<i32>} : memref<64x128xf32, #tpu.memory_space<vmem>>, vector<1x16xf32>,
      %parallel_loop3A_408 = vector.shape_cast %parallel_loop3A_407 : vector<1x16xf32> to vector<16xf32>
      %parallel_loop3A_409 = arith.constant 2 : i32
      %parallel_loop3A_410 = arith.index_cast %parallel_loop3A_409 : i32 to index
      %parallel_loop3A_411 = arith.index_cast %parallel_loop3A_349 : i32 to index
      %parallel_loop3A_412 = arith.constant 80 : index
      %parallel_loop3A_413 = tpu.vector_load %arg7[%parallel_loop3A_410, %parallel_loop3A_411, %parallel_loop3A_412] {strides = array<i32>} : memref<4x64x128xf32, #tpu.memory_space<vmem>>, vector<1x1x16xf32>,
      %parallel_loop3A_414 = vector.shape_cast %parallel_loop3A_413 : vector<1x1x16xf32> to vector<16xf32>
      %parallel_loop3A_415 = vector.shape_cast %parallel_loop3A_408 : vector<16xf32> to vector<1x1x16xf32>
      tpu.vector_store %arg7[%parallel_loop3A_410, %parallel_loop3A_411, %parallel_loop3A_412], %parallel_loop3A_415 {add = true, strides = array<i32>} : memref<4x64x128xf32, #tpu.memory_space<vmem>>, vector<1x1x16xf32>,
      %parallel_loop3A_416 = arith.index_cast %parallel_loop3A_349 : i32 to index
      %parallel_loop3A_417 = arith.constant 96 : index
      %parallel_loop3A_418 = tpu.vector_load %arg8[%parallel_loop3A_416, %parallel_loop3A_417] {strides = array<i32>} : memref<64x128xf32, #tpu.memory_space<vmem>>, vector<1x16xf32>,
      %parallel_loop3A_419 = vector.shape_cast %parallel_loop3A_418 : vector<1x16xf32> to vector<16xf32>
      %parallel_loop3A_420 = arith.constant 2 : i32
      %parallel_loop3A_421 = arith.index_cast %parallel_loop3A_420 : i32 to index
      %parallel_loop3A_422 = arith.index_cast %parallel_loop3A_349 : i32 to index
      %parallel_loop3A_423 = arith.constant 96 : index
      %parallel_loop3A_424 = tpu.vector_load %arg7[%parallel_loop3A_421, %parallel_loop3A_422, %parallel_loop3A_423] {strides = array<i32>} : memref<4x64x128xf32, #tpu.memory_space<vmem>>, vector<1x1x16xf32>,
      %parallel_loop3A_425 = vector.shape_cast %parallel_loop3A_424 : vector<1x1x16xf32> to vector<16xf32>
      %parallel_loop3A_426 = vector.shape_cast %parallel_loop3A_419 : vector<16xf32> to vector<1x1x16xf32>
      tpu.vector_store %arg7[%parallel_loop3A_421, %parallel_loop3A_422, %parallel_loop3A_423], %parallel_loop3A_426 {add = true, strides = array<i32>} : memref<4x64x128xf32, #tpu.memory_space<vmem>>, vector<1x1x16xf32>,
      %parallel_loop3A_427 = arith.index_cast %parallel_loop3A_349 : i32 to index
      %parallel_loop3A_428 = arith.constant 112 : index
      %parallel_loop3A_429 = tpu.vector_load %arg8[%parallel_loop3A_427, %parallel_loop3A_428] {strides = array<i32>} : memref<64x128xf32, #tpu.memory_space<vmem>>, vector<1x16xf32>,
      %parallel_loop3A_430 = vector.shape_cast %parallel_loop3A_429 : vector<1x16xf32> to vector<16xf32>
      %parallel_loop3A_431 = arith.constant 2 : i32
      %parallel_loop3A_432 = arith.index_cast %parallel_loop3A_431 : i32 to index
      %parallel_loop3A_433 = arith.index_cast %parallel_loop3A_349 : i32 to index
      %parallel_loop3A_434 = arith.constant 112 : index
      %parallel_loop3A_435 = tpu.vector_load %arg7[%parallel_loop3A_432, %parallel_loop3A_433, %parallel_loop3A_434] {strides = array<i32>} : memref<4x64x128xf32, #tpu.memory_space<vmem>>, vector<1x1x16xf32>,
      %parallel_loop3A_436 = vector.shape_cast %parallel_loop3A_435 : vector<1x1x16xf32> to vector<16xf32>
      %parallel_loop3A_437 = vector.shape_cast %parallel_loop3A_430 : vector<16xf32> to vector<1x1x16xf32>
      tpu.vector_store %arg7[%parallel_loop3A_432, %parallel_loop3A_433, %parallel_loop3A_434], %parallel_loop3A_437 {add = true, strides = array<i32>} : memref<4x64x128xf32, #tpu.memory_space<vmem>>, vector<1x1x16xf32>,
    } {sc.loop_unroll_factor = 1 : i64, sc.parallel_access}
    %add3A_252 = arith.constant 4096 : i32
    %add3A_253 = arith.addi %add3A_252, %mul3A_2 : i32
    %dma_start3A_254 = arith.constant 2 : i32
    %dma_start3A_255 = arith.constant 0 : i32
    %dma_start3A_256 = arith.constant 0 : i32
    %dma_start3A_257 = tpu.memref_slice %arg7[%dma_start3A_254, %dma_start3A_255, %dma_start3A_256] : memref<4x64x128xf32, #tpu.memory_space<vmem>> -> memref<1x64x128xf32, #tpu.memory_space<vmem>>
    %dma_start3A_258 = tpu.memref_squeeze %dma_start3A_257 : memref<1x64x128xf32, #tpu.memory_space<vmem>> -> memref<64x128xf32, #tpu.memory_space<vmem>>
    %dma_start3A_259 = arith.constant 0 : i32
    %dma_start3A_260 = tpu.memref_slice %arg5[%add3A_253, %dma_start3A_259] : memref<8192x128xf32, #tpu.memory_space<hbm>> -> memref<64x128xf32, #tpu.memory_space<hbm>>
    %dma_start3A_261 = arith.constant 0 : i32
    %dma_start3A_262 = tpu.memref_slice %arg5[%add3A_253, %dma_start3A_261] : memref<8192x128xf32, #tpu.memory_space<hbm>> -> memref<64x128xf32, #tpu.memory_space<hbm>>
    %dma_start3A_263 = arith.constant 0 : i32
    %dma_start3A_264 = arith.constant 0 : i32
    %dma_start3A_265 = tpu.memref_slice %arg7[%dma_start3A_254, %dma_start3A_263, %dma_start3A_264] : memref<4x64x128xf32, #tpu.memory_space<vmem>> -> memref<1x64x128xf32, #tpu.memory_space<vmem>>
    %dma_start3A_266 = tpu.memref_squeeze %dma_start3A_265 : memref<1x64x128xf32, #tpu.memory_space<vmem>> -> memref<64x128xf32, #tpu.memory_space<vmem>>
    tpu.enqueue_dma source(%dma_start3A_266 : memref<64x128xf32, #tpu.memory_space<vmem>>) target(%dma_start3A_262 : memref<64x128xf32, #tpu.memory_space<hbm>>) target_semaphore(%arg15 : memref<!tpu.dma_semaphore, #tpu.memory_space<semaphore_mem>>)
    %dma_wait3A_267 = arith.constant 3 : i32
    %dma_wait3A_268 = arith.constant 3 : i32
    %dma_wait3A_269 = arith.constant 0 : i32
    %dma_wait3A_270 = arith.constant 0 : i32
    %dma_wait3A_271 = tpu.memref_slice %arg7[%dma_wait3A_268, %dma_wait3A_269, %dma_wait3A_270] : memref<4x64x128xf32, #tpu.memory_space<vmem>> -> memref<1x64x128xf32, #tpu.memory_space<vmem>>
    %dma_wait3A_272 = tpu.memref_squeeze %dma_wait3A_271 : memref<1x64x128xf32, #tpu.memory_space<vmem>> -> memref<64x128xf32, #tpu.memory_space<vmem>>
    %dma_wait3A_273 = arith.constant 0 : i32
    %dma_wait3A_274 = tpu.memref_slice %arg6[%dma_wait3A_267, %dma_wait3A_273] : memref<4x64xi32, #tpu.memory_space<vmem>> -> memref<1x64xi32, #tpu.memory_space<vmem>>
    %dma_wait3A_275 = tpu.memref_squeeze %dma_wait3A_274 : memref<1x64xi32, #tpu.memory_space<vmem>> -> memref<64xi32, #tpu.memory_space<vmem>>
    %dma_wait3A_276 = arith.constant 0 : i32
    %dma_wait3A_277 = arith.constant 0 : i32
    %dma_wait3A_278 = tpu.memref_slice %arg3[%dma_wait3A_276, %dma_wait3A_277] : memref<100000x128xf32, #tpu.memory_space<hbm>> -> memref<100000x128xf32, #tpu.memory_space<hbm>>
    tpu.wait_indirect_dma semaphore(%arg13 : memref<!tpu.dma_semaphore, #tpu.memory_space<semaphore_mem>>) src(%dma_wait3A_278 : memref<100000x128xf32, #tpu.memory_space<hbm>>) dst(%dma_wait3A_272 : memref<64x128xf32, #tpu.memory_space<vmem>>)
    %parallel_loop3A_279 = arith.constant 0 : i32
    %parallel_loop3A_280 = arith.constant 64 : i32
    %parallel_loop3A_281 = arith.constant 1 : i32
    scf.for %parallel_loop3A_349 = %parallel_loop3A_279 to %parallel_loop3A_280 step %parallel_loop3A_281  : i32 {
      %parallel_loop3A_350 = arith.index_cast %parallel_loop3A_349 : i32 to index
      %parallel_loop3A_351 = arith.constant 0 : index
      %parallel_loop3A_352 = tpu.vector_load %arg8[%parallel_loop3A_350, %parallel_loop3A_351] {strides = array<i32>} : memref<64x128xf32, #tpu.memory_space<vmem>>, vector<1x16xf32>,
      %parallel_loop3A_353 = vector.shape_cast %parallel_loop3A_352 : vector<1x16xf32> to vector<16xf32>
      %parallel_loop3A_354 = arith.constant 3 : i32
      %parallel_loop3A_355 = arith.index_cast %parallel_loop3A_354 : i32 to index
      %parallel_loop3A_356 = arith.index_cast %parallel_loop3A_349 : i32 to index
      %parallel_loop3A_357 = arith.constant 0 : index
      %parallel_loop3A_358 = tpu.vector_load %arg7[%parallel_loop3A_355, %parallel_loop3A_356, %parallel_loop3A_357] {strides = array<i32>} : memref<4x64x128xf32, #tpu.memory_space<vmem>>, vector<1x1x16xf32>,
      %parallel_loop3A_359 = vector.shape_cast %parallel_loop3A_358 : vector<1x1x16xf32> to vector<16xf32>
      %parallel_loop3A_360 = vector.shape_cast %parallel_loop3A_353 : vector<16xf32> to vector<1x1x16xf32>
      tpu.vector_store %arg7[%parallel_loop3A_355, %parallel_loop3A_356, %parallel_loop3A_357], %parallel_loop3A_360 {add = true, strides = array<i32>} : memref<4x64x128xf32, #tpu.memory_space<vmem>>, vector<1x1x16xf32>,
      %parallel_loop3A_361 = arith.index_cast %parallel_loop3A_349 : i32 to index
      %parallel_loop3A_362 = arith.constant 16 : index
      %parallel_loop3A_363 = tpu.vector_load %arg8[%parallel_loop3A_361, %parallel_loop3A_362] {strides = array<i32>} : memref<64x128xf32, #tpu.memory_space<vmem>>, vector<1x16xf32>,
      %parallel_loop3A_364 = vector.shape_cast %parallel_loop3A_363 : vector<1x16xf32> to vector<16xf32>
      %parallel_loop3A_365 = arith.constant 3 : i32
      %parallel_loop3A_366 = arith.index_cast %parallel_loop3A_365 : i32 to index
      %parallel_loop3A_367 = arith.index_cast %parallel_loop3A_349 : i32 to index
      %parallel_loop3A_368 = arith.constant 16 : index
      %parallel_loop3A_369 = tpu.vector_load %arg7[%parallel_loop3A_366, %parallel_loop3A_367, %parallel_loop3A_368] {strides = array<i32>} : memref<4x64x128xf32, #tpu.memory_space<vmem>>, vector<1x1x16xf32>,
      %parallel_loop3A_370 = vector.shape_cast %parallel_loop3A_369 : vector<1x1x16xf32> to vector<16xf32>
      %parallel_loop3A_371 = vector.shape_cast %parallel_loop3A_364 : vector<16xf32> to vector<1x1x16xf32>
      tpu.vector_store %arg7[%parallel_loop3A_366, %parallel_loop3A_367, %parallel_loop3A_368], %parallel_loop3A_371 {add = true, strides = array<i32>} : memref<4x64x128xf32, #tpu.memory_space<vmem>>, vector<1x1x16xf32>,
      %parallel_loop3A_372 = arith.index_cast %parallel_loop3A_349 : i32 to index
      %parallel_loop3A_373 = arith.constant 32 : index
      %parallel_loop3A_374 = tpu.vector_load %arg8[%parallel_loop3A_372, %parallel_loop3A_373] {strides = array<i32>} : memref<64x128xf32, #tpu.memory_space<vmem>>, vector<1x16xf32>,
      %parallel_loop3A_375 = vector.shape_cast %parallel_loop3A_374 : vector<1x16xf32> to vector<16xf32>
      %parallel_loop3A_376 = arith.constant 3 : i32
      %parallel_loop3A_377 = arith.index_cast %parallel_loop3A_376 : i32 to index
      %parallel_loop3A_378 = arith.index_cast %parallel_loop3A_349 : i32 to index
      %parallel_loop3A_379 = arith.constant 32 : index
      %parallel_loop3A_380 = tpu.vector_load %arg7[%parallel_loop3A_377, %parallel_loop3A_378, %parallel_loop3A_379] {strides = array<i32>} : memref<4x64x128xf32, #tpu.memory_space<vmem>>, vector<1x1x16xf32>,
      %parallel_loop3A_381 = vector.shape_cast %parallel_loop3A_380 : vector<1x1x16xf32> to vector<16xf32>
      %parallel_loop3A_382 = vector.shape_cast %parallel_loop3A_375 : vector<16xf32> to vector<1x1x16xf32>
      tpu.vector_store %arg7[%parallel_loop3A_377, %parallel_loop3A_378, %parallel_loop3A_379], %parallel_loop3A_382 {add = true, strides = array<i32>} : memref<4x64x128xf32, #tpu.memory_space<vmem>>, vector<1x1x16xf32>,
      %parallel_loop3A_383 = arith.index_cast %parallel_loop3A_349 : i32 to index
      %parallel_loop3A_384 = arith.constant 48 : index
      %parallel_loop3A_385 = tpu.vector_load %arg8[%parallel_loop3A_383, %parallel_loop3A_384] {strides = array<i32>} : memref<64x128xf32, #tpu.memory_space<vmem>>, vector<1x16xf32>,
      %parallel_loop3A_386 = vector.shape_cast %parallel_loop3A_385 : vector<1x16xf32> to vector<16xf32>
      %parallel_loop3A_387 = arith.constant 3 : i32
      %parallel_loop3A_388 = arith.index_cast %parallel_loop3A_387 : i32 to index
      %parallel_loop3A_389 = arith.index_cast %parallel_loop3A_349 : i32 to index
      %parallel_loop3A_390 = arith.constant 48 : index
      %parallel_loop3A_391 = tpu.vector_load %arg7[%parallel_loop3A_388, %parallel_loop3A_389, %parallel_loop3A_390] {strides = array<i32>} : memref<4x64x128xf32, #tpu.memory_space<vmem>>, vector<1x1x16xf32>,
      %parallel_loop3A_392 = vector.shape_cast %parallel_loop3A_391 : vector<1x1x16xf32> to vector<16xf32>
      %parallel_loop3A_393 = vector.shape_cast %parallel_loop3A_386 : vector<16xf32> to vector<1x1x16xf32>
      tpu.vector_store %arg7[%parallel_loop3A_388, %parallel_loop3A_389, %parallel_loop3A_390], %parallel_loop3A_393 {add = true, strides = array<i32>} : memref<4x64x128xf32, #tpu.memory_space<vmem>>, vector<1x1x16xf32>,
      %parallel_loop3A_394 = arith.index_cast %parallel_loop3A_349 : i32 to index
      %parallel_loop3A_395 = arith.constant 64 : index
      %parallel_loop3A_396 = tpu.vector_load %arg8[%parallel_loop3A_394, %parallel_loop3A_395] {strides = array<i32>} : memref<64x128xf32, #tpu.memory_space<vmem>>, vector<1x16xf32>,
      %parallel_loop3A_397 = vector.shape_cast %parallel_loop3A_396 : vector<1x16xf32> to vector<16xf32>
      %parallel_loop3A_398 = arith.constant 3 : i32
      %parallel_loop3A_399 = arith.index_cast %parallel_loop3A_398 : i32 to index
      %parallel_loop3A_400 = arith.index_cast %parallel_loop3A_349 : i32 to index
      %parallel_loop3A_401 = arith.constant 64 : index
      %parallel_loop3A_402 = tpu.vector_load %arg7[%parallel_loop3A_399, %parallel_loop3A_400, %parallel_loop3A_401] {strides = array<i32>} : memref<4x64x128xf32, #tpu.memory_space<vmem>>, vector<1x1x16xf32>,
      %parallel_loop3A_403 = vector.shape_cast %parallel_loop3A_402 : vector<1x1x16xf32> to vector<16xf32>
      %parallel_loop3A_404 = vector.shape_cast %parallel_loop3A_397 : vector<16xf32> to vector<1x1x16xf32>
      tpu.vector_store %arg7[%parallel_loop3A_399, %parallel_loop3A_400, %parallel_loop3A_401], %parallel_loop3A_404 {add = true, strides = array<i32>} : memref<4x64x128xf32, #tpu.memory_space<vmem>>, vector<1x1x16xf32>,
      %parallel_loop3A_405 = arith.index_cast %parallel_loop3A_349 : i32 to index
      %parallel_loop3A_406 = arith.constant 80 : index
      %parallel_loop3A_407 = tpu.vector_load %arg8[%parallel_loop3A_405, %parallel_loop3A_406] {strides = array<i32>} : memref<64x128xf32, #tpu.memory_space<vmem>>, vector<1x16xf32>,
      %parallel_loop3A_408 = vector.shape_cast %parallel_loop3A_407 : vector<1x16xf32> to vector<16xf32>
      %parallel_loop3A_409 = arith.constant 3 : i32
      %parallel_loop3A_410 = arith.index_cast %parallel_loop3A_409 : i32 to index
      %parallel_loop3A_411 = arith.index_cast %parallel_loop3A_349 : i32 to index
      %parallel_loop3A_412 = arith.constant 80 : index
      %parallel_loop3A_413 = tpu.vector_load %arg7[%parallel_loop3A_410, %parallel_loop3A_411, %parallel_loop3A_412] {strides = array<i32>} : memref<4x64x128xf32, #tpu.memory_space<vmem>>, vector<1x1x16xf32>,
      %parallel_loop3A_414 = vector.shape_cast %parallel_loop3A_413 : vector<1x1x16xf32> to vector<16xf32>
      %parallel_loop3A_415 = vector.shape_cast %parallel_loop3A_408 : vector<16xf32> to vector<1x1x16xf32>
      tpu.vector_store %arg7[%parallel_loop3A_410, %parallel_loop3A_411, %parallel_loop3A_412], %parallel_loop3A_415 {add = true, strides = array<i32>} : memref<4x64x128xf32, #tpu.memory_space<vmem>>, vector<1x1x16xf32>,
      %parallel_loop3A_416 = arith.index_cast %parallel_loop3A_349 : i32 to index
      %parallel_loop3A_417 = arith.constant 96 : index
      %parallel_loop3A_418 = tpu.vector_load %arg8[%parallel_loop3A_416, %parallel_loop3A_417] {strides = array<i32>} : memref<64x128xf32, #tpu.memory_space<vmem>>, vector<1x16xf32>,
      %parallel_loop3A_419 = vector.shape_cast %parallel_loop3A_418 : vector<1x16xf32> to vector<16xf32>
      %parallel_loop3A_420 = arith.constant 3 : i32
      %parallel_loop3A_421 = arith.index_cast %parallel_loop3A_420 : i32 to index
      %parallel_loop3A_422 = arith.index_cast %parallel_loop3A_349 : i32 to index
      %parallel_loop3A_423 = arith.constant 96 : index
      %parallel_loop3A_424 = tpu.vector_load %arg7[%parallel_loop3A_421, %parallel_loop3A_422, %parallel_loop3A_423] {strides = array<i32>} : memref<4x64x128xf32, #tpu.memory_space<vmem>>, vector<1x1x16xf32>,
      %parallel_loop3A_425 = vector.shape_cast %parallel_loop3A_424 : vector<1x1x16xf32> to vector<16xf32>
      %parallel_loop3A_426 = vector.shape_cast %parallel_loop3A_419 : vector<16xf32> to vector<1x1x16xf32>
      tpu.vector_store %arg7[%parallel_loop3A_421, %parallel_loop3A_422, %parallel_loop3A_423], %parallel_loop3A_426 {add = true, strides = array<i32>} : memref<4x64x128xf32, #tpu.memory_space<vmem>>, vector<1x1x16xf32>,
      %parallel_loop3A_427 = arith.index_cast %parallel_loop3A_349 : i32 to index
      %parallel_loop3A_428 = arith.constant 112 : index
      %parallel_loop3A_429 = tpu.vector_load %arg8[%parallel_loop3A_427, %parallel_loop3A_428] {strides = array<i32>} : memref<64x128xf32, #tpu.memory_space<vmem>>, vector<1x16xf32>,
      %parallel_loop3A_430 = vector.shape_cast %parallel_loop3A_429 : vector<1x16xf32> to vector<16xf32>
      %parallel_loop3A_431 = arith.constant 3 : i32
      %parallel_loop3A_432 = arith.index_cast %parallel_loop3A_431 : i32 to index
      %parallel_loop3A_433 = arith.index_cast %parallel_loop3A_349 : i32 to index
      %parallel_loop3A_434 = arith.constant 112 : index
      %parallel_loop3A_435 = tpu.vector_load %arg7[%parallel_loop3A_432, %parallel_loop3A_433, %parallel_loop3A_434] {strides = array<i32>} : memref<4x64x128xf32, #tpu.memory_space<vmem>>, vector<1x1x16xf32>,
      %parallel_loop3A_436 = vector.shape_cast %parallel_loop3A_435 : vector<1x1x16xf32> to vector<16xf32>
      %parallel_loop3A_437 = vector.shape_cast %parallel_loop3A_430 : vector<16xf32> to vector<1x1x16xf32>
      tpu.vector_store %arg7[%parallel_loop3A_432, %parallel_loop3A_433, %parallel_loop3A_434], %parallel_loop3A_437 {add = true, strides = array<i32>} : memref<4x64x128xf32, #tpu.memory_space<vmem>>, vector<1x1x16xf32>,
    } {sc.loop_unroll_factor = 1 : i64, sc.parallel_access}
    %add3A_282 = arith.constant 6144 : i32
    %add3A_283 = arith.addi %add3A_282, %mul3A_2 : i32
    %dma_start3A_284 = arith.constant 3 : i32
    %dma_start3A_285 = arith.constant 0 : i32
    %dma_start3A_286 = arith.constant 0 : i32
    %dma_start3A_287 = tpu.memref_slice %arg7[%dma_start3A_284, %dma_start3A_285, %dma_start3A_286] : memref<4x64x128xf32, #tpu.memory_space<vmem>> -> memref<1x64x128xf32, #tpu.memory_space<vmem>>
    %dma_start3A_288 = tpu.memref_squeeze %dma_start3A_287 : memref<1x64x128xf32, #tpu.memory_space<vmem>> -> memref<64x128xf32, #tpu.memory_space<vmem>>
    %dma_start3A_289 = arith.constant 0 : i32
    %dma_start3A_290 = tpu.memref_slice %arg5[%add3A_283, %dma_start3A_289] : memref<8192x128xf32, #tpu.memory_space<hbm>> -> memref<64x128xf32, #tpu.memory_space<hbm>>
    %dma_start3A_291 = arith.constant 0 : i32
    %dma_start3A_292 = tpu.memref_slice %arg5[%add3A_283, %dma_start3A_291] : memref<8192x128xf32, #tpu.memory_space<hbm>> -> memref<64x128xf32, #tpu.memory_space<hbm>>
    %dma_start3A_293 = arith.constant 0 : i32
    %dma_start3A_294 = arith.constant 0 : i32
    %dma_start3A_295 = tpu.memref_slice %arg7[%dma_start3A_284, %dma_start3A_293, %dma_start3A_294] : memref<4x64x128xf32, #tpu.memory_space<vmem>> -> memref<1x64x128xf32, #tpu.memory_space<vmem>>
    %dma_start3A_296 = tpu.memref_squeeze %dma_start3A_295 : memref<1x64x128xf32, #tpu.memory_space<vmem>> -> memref<64x128xf32, #tpu.memory_space<vmem>>
    tpu.enqueue_dma source(%dma_start3A_296 : memref<64x128xf32, #tpu.memory_space<vmem>>) target(%dma_start3A_292 : memref<64x128xf32, #tpu.memory_space<hbm>>) target_semaphore(%arg15 : memref<!tpu.dma_semaphore, #tpu.memory_space<semaphore_mem>>)
    %dma_wait3A_297 = arith.constant 0 : i32
    %dma_wait3A_298 = arith.constant 0 : i32
    %dma_wait3A_299 = arith.constant 0 : i32
    %dma_wait3A_300 = tpu.memref_slice %arg7[%dma_wait3A_297, %dma_wait3A_298, %dma_wait3A_299] : memref<4x64x128xf32, #tpu.memory_space<vmem>> -> memref<1x64x128xf32, #tpu.memory_space<vmem>>
    %dma_wait3A_301 = tpu.memref_squeeze %dma_wait3A_300 : memref<1x64x128xf32, #tpu.memory_space<vmem>> -> memref<64x128xf32, #tpu.memory_space<vmem>>
    %dma_wait3A_302 = arith.constant 0 : i32
    %dma_wait3A_303 = tpu.memref_slice %arg5[%mul3A_2, %dma_wait3A_302] : memref<8192x128xf32, #tpu.memory_space<hbm>> -> memref<64x128xf32, #tpu.memory_space<hbm>>
    %dma_wait3A_304 = arith.constant 0 : i32
    %dma_wait3A_305 = tpu.memref_slice %arg5[%mul3A_2, %dma_wait3A_304] : memref<8192x128xf32, #tpu.memory_space<hbm>> -> memref<64x128xf32, #tpu.memory_space<hbm>>
    %dma_wait3A_306 = arith.constant 0 : i32
    %dma_wait3A_307 = arith.constant 0 : i32
    %dma_wait3A_308 = tpu.memref_slice %arg7[%dma_wait3A_297, %dma_wait3A_306, %dma_wait3A_307] : memref<4x64x128xf32, #tpu.memory_space<vmem>> -> memref<1x64x128xf32, #tpu.memory_space<vmem>>
    %dma_wait3A_309 = tpu.memref_squeeze %dma_wait3A_308 : memref<1x64x128xf32, #tpu.memory_space<vmem>> -> memref<64x128xf32, #tpu.memory_space<vmem>>
    tpu.wait_dma2 semaphore(%arg15 : memref<!tpu.dma_semaphore, #tpu.memory_space<semaphore_mem>>) src(%dma_wait3A_309 : memref<64x128xf32, #tpu.memory_space<vmem>>) dst(%dma_wait3A_305 : memref<64x128xf32, #tpu.memory_space<hbm>>)
    %dma_wait3A_310 = arith.constant 1 : i32
    %dma_wait3A_311 = arith.constant 0 : i32
    %dma_wait3A_312 = arith.constant 0 : i32
    %dma_wait3A_313 = tpu.memref_slice %arg7[%dma_wait3A_310, %dma_wait3A_311, %dma_wait3A_312] : memref<4x64x128xf32, #tpu.memory_space<vmem>> -> memref<1x64x128xf32, #tpu.memory_space<vmem>>
    %dma_wait3A_314 = tpu.memref_squeeze %dma_wait3A_313 : memref<1x64x128xf32, #tpu.memory_space<vmem>> -> memref<64x128xf32, #tpu.memory_space<vmem>>
    %dma_wait3A_315 = arith.constant 0 : i32
    %dma_wait3A_316 = tpu.memref_slice %arg5[%add3A_223, %dma_wait3A_315] : memref<8192x128xf32, #tpu.memory_space<hbm>> -> memref<64x128xf32, #tpu.memory_space<hbm>>
    %dma_wait3A_317 = arith.constant 0 : i32
    %dma_wait3A_318 = tpu.memref_slice %arg5[%add3A_223, %dma_wait3A_317] : memref<8192x128xf32, #tpu.memory_space<hbm>> -> memref<64x128xf32, #tpu.memory_space<hbm>>
    %dma_wait3A_319 = arith.constant 0 : i32
    %dma_wait3A_320 = arith.constant 0 : i32
    %dma_wait3A_321 = tpu.memref_slice %arg7[%dma_wait3A_310, %dma_wait3A_319, %dma_wait3A_320] : memref<4x64x128xf32, #tpu.memory_space<vmem>> -> memref<1x64x128xf32, #tpu.memory_space<vmem>>
    %dma_wait3A_322 = tpu.memref_squeeze %dma_wait3A_321 : memref<1x64x128xf32, #tpu.memory_space<vmem>> -> memref<64x128xf32, #tpu.memory_space<vmem>>
    tpu.wait_dma2 semaphore(%arg15 : memref<!tpu.dma_semaphore, #tpu.memory_space<semaphore_mem>>) src(%dma_wait3A_322 : memref<64x128xf32, #tpu.memory_space<vmem>>) dst(%dma_wait3A_318 : memref<64x128xf32, #tpu.memory_space<hbm>>)
    %dma_wait3A_323 = arith.constant 2 : i32
    %dma_wait3A_324 = arith.constant 0 : i32
    %dma_wait3A_325 = arith.constant 0 : i32
    %dma_wait3A_326 = tpu.memref_slice %arg7[%dma_wait3A_323, %dma_wait3A_324, %dma_wait3A_325] : memref<4x64x128xf32, #tpu.memory_space<vmem>> -> memref<1x64x128xf32, #tpu.memory_space<vmem>>
    %dma_wait3A_327 = tpu.memref_squeeze %dma_wait3A_326 : memref<1x64x128xf32, #tpu.memory_space<vmem>> -> memref<64x128xf32, #tpu.memory_space<vmem>>
    %dma_wait3A_328 = arith.constant 0 : i32
    %dma_wait3A_329 = tpu.memref_slice %arg5[%add3A_253, %dma_wait3A_328] : memref<8192x128xf32, #tpu.memory_space<hbm>> -> memref<64x128xf32, #tpu.memory_space<hbm>>
    %dma_wait3A_330 = arith.constant 0 : i32
    %dma_wait3A_331 = tpu.memref_slice %arg5[%add3A_253, %dma_wait3A_330] : memref<8192x128xf32, #tpu.memory_space<hbm>> -> memref<64x128xf32, #tpu.memory_space<hbm>>
    %dma_wait3A_332 = arith.constant 0 : i32
    %dma_wait3A_333 = arith.constant 0 : i32
    %dma_wait3A_334 = tpu.memref_slice %arg7[%dma_wait3A_323, %dma_wait3A_332, %dma_wait3A_333] : memref<4x64x128xf32, #tpu.memory_space<vmem>> -> memref<1x64x128xf32, #tpu.memory_space<vmem>>
    %dma_wait3A_335 = tpu.memref_squeeze %dma_wait3A_334 : memref<1x64x128xf32, #tpu.memory_space<vmem>> -> memref<64x128xf32, #tpu.memory_space<vmem>>
    tpu.wait_dma2 semaphore(%arg15 : memref<!tpu.dma_semaphore, #tpu.memory_space<semaphore_mem>>) src(%dma_wait3A_335 : memref<64x128xf32, #tpu.memory_space<vmem>>) dst(%dma_wait3A_331 : memref<64x128xf32, #tpu.memory_space<hbm>>)
    %dma_wait3A_336 = arith.constant 3 : i32
    %dma_wait3A_337 = arith.constant 0 : i32
    %dma_wait3A_338 = arith.constant 0 : i32
    %dma_wait3A_339 = tpu.memref_slice %arg7[%dma_wait3A_336, %dma_wait3A_337, %dma_wait3A_338] : memref<4x64x128xf32, #tpu.memory_space<vmem>> -> memref<1x64x128xf32, #tpu.memory_space<vmem>>
    %dma_wait3A_340 = tpu.memref_squeeze %dma_wait3A_339 : memref<1x64x128xf32, #tpu.memory_space<vmem>> -> memref<64x128xf32, #tpu.memory_space<vmem>>
    %dma_wait3A_341 = arith.constant 0 : i32
    %dma_wait3A_342 = tpu.memref_slice %arg5[%add3A_283, %dma_wait3A_341] : memref<8192x128xf32, #tpu.memory_space<hbm>> -> memref<64x128xf32, #tpu.memory_space<hbm>>
    %dma_wait3A_343 = arith.constant 0 : i32
    %dma_wait3A_344 = tpu.memref_slice %arg5[%add3A_283, %dma_wait3A_343] : memref<8192x128xf32, #tpu.memory_space<hbm>> -> memref<64x128xf32, #tpu.memory_space<hbm>>
    %dma_wait3A_345 = arith.constant 0 : i32
    %dma_wait3A_346 = arith.constant 0 : i32
    %dma_wait3A_347 = tpu.memref_slice %arg7[%dma_wait3A_336, %dma_wait3A_345, %dma_wait3A_346] : memref<4x64x128xf32, #tpu.memory_space<vmem>> -> memref<1x64x128xf32, #tpu.memory_space<vmem>>
    %dma_wait3A_348 = tpu.memref_squeeze %dma_wait3A_347 : memref<1x64x128xf32, #tpu.memory_space<vmem>> -> memref<64x128xf32, #tpu.memory_space<vmem>>
    tpu.wait_dma2 semaphore(%arg15 : memref<!tpu.dma_semaphore, #tpu.memory_space<semaphore_mem>>) src(%dma_wait3A_348 : memref<64x128xf32, #tpu.memory_space<vmem>>) dst(%dma_wait3A_344 : memref<64x128xf32, #tpu.memory_space<hbm>>)
    return
  }
}

</mosaic_0001>

<sc_bundles>
// kernel: kernel.3.cloned.1.call-start
scs
__scs_entry_jumppad:
0x0: {  	(pc) =	sbr.rel $0x88, $3  }
0x1: {  	(tag) =	ssettag $0x0;
	lr =	simm.s32 $0x1  }
0x2: {  	[smem:$0x3F9E] =	sst lr;
	_ =	strace $0xD0000000  }
0x3: {  	_ = 	snop  }
0x4: {  	_ = 	snop  }
0x5: {  	_ = 	snop  }
0x6: {  	_ = 	snop  }
0x7: {  	_ = 	snop  }
__scs_overlays_trampoline_lowered:
0x8: {  	[smem:$0x3FAD] =	sst s0  }
0x9: {  	[smem:$0x3FAE] =	sst s1  }
0xa: {  	[smem:$0x3FAF] =	sst s2  }
0xb: {  	[smem:$0x3FB0] =	sst s3  }
0xc: {  	[smem:$0x3FB1] =	sst s4  }
0xd: {  	[smem:$0x3FB2] =	sst s5  }
0xe: {  	[smem:$0x3FB3] =	sst s6  }
0xf: {  	[smem:$0x3FB4] =	sst s7  }
0x10: {  	[smem:$0x3FB5] =	sst s8  }
0x11: {  	[smem:$0x3FB6] =	sst s9;
	s0 =	simm.s32 @!p0 $0x0  }
0x12: {  	s1 =	sld [smem:$0x3F9C];
	s0 =	simm.s32 @p0 $0x1  }
0x13: {  	[smem:$0x3FB7] =	sst s0;
	s0 =	simm.s32 @!p1 $0x0  }
0x14: {  	s2 =	sld [smem:$0x3F9B];
	s0 =	simm.s32 @p1 $0x1  }
0x15: {  	[smem:$0x3FB8] =	sst s0;
	s0 =	simm.s32 @!p2 $0x0  }
0x16: {  	s3 =	sld [smem:$0x3FDB];
	s0 =	simm.s32 @p2 $0x1  }
0x17: {  	s4 =	simm.s32 $0x1BF5;
	[smem:$0x3FBA] =	sst s0  }
0x18: {  	s0 =	sld [smem:$0x3F9D];
	_ =	swait.ge [sflag:s4], $0x0  }
0x19: {  	s7 =	sld [smem:$0x3F9E]  }
0x1a: {  	s8 =	sadd.s32 $0xFFFFE003, lr  }
0x1b: {  	s9 =	sadd.s32 $0xFFFFFEF7, lr;
	s5 =	simm.s32 $0xFFFFFFFF;
	p2 =	slt.u32 s8, $0xFFFFF086  }
0x1c: {  	p1 =	slt.u32 s9, $0xF7A;
	s5 =	simm.s32 @!p2 $0x0  }
0x1d: {  	s5 =	simm.s32 @p1 $0x1;
	p0 =	seq.s32 s7, s2  }
0x1e: {  	s7 =	smul.u32 @!p0 $0xF7A, s2;
	p2 =	seq.s32 @!p0 s5, $0x0  }
0x1f: {  	s9 =	smul.u32 $0xF7A, s1;
	s8 =	simm.s32 @!p0 $0x1BF5;
	p2 =	por !p2, p0  }
0x20: {  	[sflag:s8] =	ssyncset.s32 @!p0 $0xFFFFF086;
	s6 =	sadd.s32 @!p0 s3, s7;
	s7 =	simm.s32 @!p0 $0x108  }
0x21: {  	s3 =	sadd.s32 s3, s9;
	s6 =	sadd.s32 @!p0 $0x88, s6;
	s7 =	simm.s32 @p2 $0x1082  }
0x22: {  	[simem:s7], [sflag:s8] =	dma.local @!p0 [hbm:s6], $0xF7A  }
0x23: {  	s9 =	sor.u32 $0xD0000000, s2;
	s6 =	simm.s32 $0x108;
	_ =	swait.ge @!p0 [sflag:s8], $0x0  }
0x24: {  	s3 =	sadd.s32 $0x88, s3;
	s6 =	simm.s32 @!p1 $0x1082;
	[sflag:s4] =	ssyncset.s32 $0xFFFFF086  }
0x25: {  	[simem:s6], [sflag:s4] =	dma.local [hbm:s3], $0xF7A  }
0x26: {  	[smem:$0x3F9E] =	sst s1;
	(tag) =	ssettag s2;
	_ =	strace s9  }
0x27: {  	s1 =	sld [smem:$0x3FAE]  }
0x28: {  	s2 =	sld [smem:$0x3FAF]  }
0x29: {  	s4 =	sld [smem:$0x3FB1]  }
0x2a: {  	p0 =	seq.s32 s5, $0x0;
	s5 =	sld [smem:$0x3FB2]  }
0x2b: {  	s6 =	sld [smem:$0x3FB3]  }
0x2c: {  	s7 =	sld [smem:$0x3FB4]  }
0x2d: {  	s3 =	simm.s32 $0x108;
	s8 =	sld [smem:$0x3FB5]  }
0x2e: {  	s3 =	simm.s32 @!p0 $0x1082;
	s9 =	sld [smem:$0x3FB6]  }
0x2f: {  	lr =	sadd.s32 s0, s3;
	s0 =	sld [smem:$0x3FAD]  }
0x30: {  	s3 =	sld [smem:$0x3FB0]  }
0x31: {  	[smem:$0x3FB9] =	sst s10  }
0x32: {  	s10 =	sld [smem:$0x3FB7];
	_ =	sdelay $0x3  }
0x33: {  	p0 =	seq.s32 s10, $0x1;
	s10 =	sld [smem:$0x3FB9];
	_ =	sdelay $0x3  }
0x34: {  	[smem:$0x3FB9] =	sst s10  }
0x35: {  	s10 =	sld [smem:$0x3FB8];
	_ =	sdelay $0x3  }
0x36: {  	p1 =	seq.s32 s10, $0x1;
	s10 =	sld [smem:$0x3FB9];
	_ =	sdelay $0x3  }
0x37: {  	[smem:$0x3FB9] =	sst s10  }
0x38: {  	s10 =	sld [smem:$0x3FBA]  }
0x39: {  	_ = 	snop;
	(pc) =	sbr.ind lr, $3  }
0x3a: {  	_ = 	snop  }
0x3b: {  	_ = 	snop  }
0x3c: {  	p2 =	seq.s32 s10, $0x1;
	s10 =	sld [smem:$0x3FB9]  }
0x3d: {  	_ =	shalt  }
0x3e: {  	_ =	shalt  }
0x3f: {  	_ =	shalt  }
0x40: {  	_ =	shalt  }
0x41: {  	_ =	shalt  }
0x42: {  	_ =	shalt  }
0x43: {  	_ =	shalt  }
0x44: {  	_ =	shalt  }
0x45: {  	_ =	shalt  }
0x46: {  	_ =	shalt  }
0x47: {  	_ =	shalt  }
0x48: {  	_ =	shalt  }
0x49: {  	_ =	shalt  }
0x4a: {  	_ =	shalt  }
0x4b: {  	_ =	shalt  }
0x4c: {  	_ =	shalt  }
0x4d: {  	_ =	shalt  }
0x4e: {  	_ =	shalt  }
0x4f: {  	_ =	shalt  }
0x50: {  	_ =	shalt  }
0x51: {  	_ =	shalt  }
0x52: {  	_ =	shalt  }
0x53: {  	_ =	shalt  }
0x54: {  	_ =	shalt  }
0x55: {  	_ =	shalt  }
0x56: {  	_ =	shalt  }
0x57: {  	_ =	shalt  }
0x58: {  	_ =	shalt  }
0x59: {  	_ =	shalt  }
0x5a: {  	_ =	shalt  }
0x5b: {  	_ =	shalt  }
0x5c: {  	_ =	shalt  }
0x5d: {  	_ =	shalt  }
0x5e: {  	_ =	shalt  }
0x5f: {  	_ =	shalt  }
0x60: {  	_ =	shalt  }
0x61: {  	_ =	shalt  }
0x62: {  	_ =	shalt  }
0x63: {  	_ =	shalt  }
0x64: {  	_ =	shalt  }
0x65: {  	_ =	shalt  }
0x66: {  	_ =	shalt  }
0x67: {  	_ =	shalt  }
0x68: {  	_ =	shalt  }
0x69: {  	_ =	shalt  }
0x6a: {  	_ =	shalt  }
0x6b: {  	_ =	shalt  }
0x6c: {  	_ =	shalt  }
0x6d: {  	_ =	shalt  }
0x6e: {  	_ =	shalt  }
0x6f: {  	_ =	shalt  }
0x70: {  	_ =	shalt  }
0x71: {  	_ =	shalt  }
0x72: {  	_ =	shalt  }
0x73: {  	_ =	shalt  }
0x74: {  	_ =	shalt  }
0x75: {  	_ =	shalt  }
0x76: {  	_ =	shalt  }
0x77: {  	_ =	shalt  }
0x78: {  	_ =	shalt  }
0x79: {  	_ =	shalt  }
0x7a: {  	_ =	shalt  }
0x7b: {  	_ =	shalt  }
0x7c: {  	_ =	shalt  }
0x7d: {  	_ =	shalt  }
0x7e: {  	_ =	shalt  }
0x7f: {  	_ =	shalt  }
0x80: {  	_ =	shalt  }
0x81: {  	_ =	shalt  }
0x82: {  	_ =	shalt  }
0x83: {  	_ =	shalt  }
0x84: {  	_ =	shalt  }
0x85: {  	_ =	shalt  }
0x86: {  	_ =	shalt  }
0x87: {  	_ =	shalt  }
.Lfunc_end0:
.L_simem_size_0:
called_computation_lowered:
.L_overlay_start_0:
0x88: {  	s2 =	sld [smem:$0x3FD9]  }
0x89: {  	s3 =	sld [smem:$0x3FFE];
	_ =	sdelay $0x1  }
0x8a: {  	s1 =	srdreg.scid  }
0x8b: {  	s0 =	sand.u32 $0x1, s1  }
0x8c: {  	s18 =	sshll.u32 s0, $0xA;
	s2 =	sadd.s32 s3, s2  }
0x8d: {  	s2 =	sadd.s32 s2, s18  }
0x8e: {  	[smem:$0x3FC5] =	sst s2  }
0x8f: {  	_ = 	snop  }
0x90: {  	s2 =	sld [smem:$0x3FC9]  }
0x91: {  	s19 =	sld [smem:$0x3FC8]  }
0x92: {  	s4 =	sld [smem:$0x3FC7]  }
0x93: {  	s5 =	sld [smem:$0x3FD0];
	(tm) =	ssettm $0x1  }
0x94: {  	s6 =	sld [smem:$0x3FFB];
	_ =	sdelay $0x3  }
0x95: {  	_ =	strace s6  }
0x96: {  	s6 =	sld [smem:$0x3FFC];
	_ =	sdelay $0x3  }
0x97: {  	_ =	strace s6  }
0x98: {  	s6 =	sld [smem:$0x3FFD];
	_ =	sdelay $0x3  }
0x99: {  	_ =	strace s6  }
0x9a: {  	_ =	strace $0x8FFFFFFF  }
0x9b: {  	s20 =	sld [smem:$0x3FDB];
	_ =	sdelay $0x1  }
0x9c: {  	s7 =	simm.s32 $_scs_section_size  }
0x9d: {  	s8 =	simm.s32 $_size__tile_overlayer_lowered;
	s9 =	simm.s32 $_tile_overlayer_lowered  }
0x9e: {  	s23 =	simm.s32 $0x1BFF;
	s22 =	sshll.u32 s9, $0x1;
	s6 =	sadd.s32 s7, s20  }
0x9f: {  	s10 =	simm.s32 $0x0;
	s21 =	sshll.u32 s8, $0x1;
	s8 =	sadd.s32 s22, s6  }
0xa0: {  	[timem:s10], [sflag:s23] =	dma.local [hbm:s8], s21  }
0xa1: {  	_ =	swait.ge [sflag:s23], s21  }
0xa2: {  	s7 =	ssub.s32 $0x0, s21;
	[sflag:s23] =	ssyncset.done $0x0  }
0xa3: {  	[sflag:s23] =	ssyncadd.s32 s7;
	_ =	sdelay $0x1  }
0xa4: {  	s24 =	simm.s32 $0x1B8B  }
0xa5: {  	_ =	swait.ge [sflag:s24], $0x1  }
0xa6: {  	[sflag:s24] =	ssyncset.done $0x0  }
0xa7: {  	s25 =	simm.s32 $0x1B8E;
	[sflag:s24] =	ssyncadd.s32 $0xFFFFFFFF  }
0xa8: {  	s26 =	simm.s32 $execute0_lowered;
	[smem:$0x3FD2] =	sst s25  }
0xa9: {  	s7 =	sshll.u32 s26, $0x1;
	_ =	strace $0x80000046;
	[dreg:$0x1] =	wrdreg $0xFFFFFFFF  }
0xaa: {  	s28 =	simm.s32 $_size_execute0_lowered;
	s6 =	sadd.s32 s6, s7;
	[dreg:$0x0] =	wrdreg $0x0  }
0xab: {  	s7 =	sshll.u32 s28, $0x1;
	[dreg:$0x2] =	wrdreg s6  }
0xac: {  	[dreg:$0x3] =	wrdreg s7  }
0xad: {  	[dreg:$0x4] =	wrdreg $0xC0  }
0xae: {  	_ =	task [dreg:s10], $0x5FFFF  }
0xaf: {  	[dreg:$0x1] =	wrdreg $0xFFFFFFFF  }
0xb0: {  	[dreg:$0x0] =	wrdreg $0x60  }
0xb1: {  	[dreg:$0x2] =	wrdreg s2  }
0xb2: {  	[dreg:$0x3] =	wrdreg s19  }
0xb3: {  	[dreg:$0x4] =	wrdreg s4  }
0xb4: {  	[dreg:$0x5] =	wrdreg s5  }
0xb5: {  	[dreg:$0x6] =	wrdreg $0x9  }
0xb6: {  	_ =	task.clear_ibuf [dreg:s10], $0x7FFFF;
	_ =	strace $0x90000046  }
0xb7: {  	s29 =	simm.s32 $0x9;
	_ =	strace $0x80000048  }
0xb8: {  	_ =	swait.ge [sflag:s29], $0x1  }
0xb9: {  	[sflag:s29] =	ssyncadd.s32 $0xFFFFFFFF  }
0xba: {  	_ =	strace $0x90000048  }
0xbb: {  	_ =	sfence  }
0xbc: {  	s30 =	sld [smem:$0x0];
	_ =	sdelay $0x2  }
0xbd: {  	s31 =	sshll.u32 s1, $0xD;
	s1 =	sshrl.u32 s1, $0x2  }
0xbe: {  	s3 =	sand.u32 $0x4000, s31;
	s1 =	sadd.s32 s1, s30  }
0xbf: {  	s0 =	sor.u32 s3, s0;
	s1 =	sshll.u32 s1, $0x11  }
0xc0: {  	s0 =	sor.u32 s1, s0  }
0xc1: {  	s0 =	sadd.s32 $0x8F2B, s0  }
0xc2: {  	[sflag:s0] =	ssyncadd.remote.s32 $0x1  }
0xc3: {  	_ =	sfence.sel $0xFFFF  }
0xc4: {  	[dreg:$0x0] =	wrdreg $0xFFFFFFFF;
	(pc) =	sbr.abs _section_cstart, $3  }
0xc5: {  	[dreg:$0x1] =	wrdreg $0xFFFFFFFF  }
0xc6: {  	_ =	task.clear_ibuf [dreg:s10], $0x2FFFF;
	_ =	strace $0x9FFFFFFF  }
0xc7: {  	(tm) =	ssettm $0x7FFFFFFF  }
tec
execute0_lowered:
.L_overlay_start_1:
0x0: {  	(tag) =	ssettag $0x1  }
0x1: {  	s2 =	rddreg [dreg:$0x0]  }
0x2: {  	s1 =	rddreg [dreg:$0x1]  }
0x3: {  	s0 =	srdreg.scid;
	s9 =	rddreg [dreg:$0x2]  }
0x4: {  	s3 =	stileid.u32;
	s8 =	rddreg [dreg:$0x3];
	s14 =	simm.s32 $0x80  }
0x5: {  	s15 =	simm.s32 $0x100;
	s16 =	simm.s32 $0x180;
	s18 =	simm.s32 $0x1  }
0x6: {  	s19 =	simm.s32 $0x20;
	s20 =	simm.s32 $0x200;
	s22 =	simm.s32 $0x3  }
0x7: {  	s23 =	simm.s32 $0x40;
	s24 =	simm.s32 $0x2200;
	s25 =	simm.s32 $0x4  }
0x8: {  	s28 =	simm.s32 $0x5;
	s29 =	simm.s32 $0x6200;
	s0 =	sand.u32 $0x1, s0  }
0x9: {  	s30 =	simm.s32 $0x6;
	s3 =	sshll.u32 s3, $0x7;
	s5 =	sshll.u32 s0, $0x6  }
0xa: {  	s31 =	simm.s32 $0x2;
	s0 =	ssub.s32 $0x2, s0;
	s6 =	sor.u32 s5, s3  }
0xb: {  	s3 =	simm.s32 $0x0;
	s10 =	sshrl.u32 s0, $0x1;
	s7 =	sshll.u32 s6, $0x2  }
0xc: {  	[smem:$0x7FF] =	sst s3;
	s0 =	ssub.s32 s0, s10;
	s11 =	sshll.u32 s6, $0x4  }
0xd: {  	s4 =	sand.u32 $0x1E00, s7;
	_ =	strace $0x80000047;
	s7 =	sor.u32 s5, s7  }
0xe: {  	s8 =	sadd.s32 s8, s11;
	s9 =	sadd.s32 s9, s11;
	s13 =	smax.u32 s0, $0x1  }
0xf: {  	s0 =	simm.s32 $0x0;
	s4 =	sor.u32 s5, s4;
	s7 =	sshrl.u32 s7, $0x3  }
0x10: {  	s10 =	sadd.s32 $0x8000, s8;
	s11 =	sadd.s32 $0x10000, s8;
	s12 =	sadd.s32 $0x18000, s8  }
0x11: {  	s4 =	sshrl.u32 s4, $0x3;
	s26 =	sor.u32 $0x20, s7;
	s7 =	sor.u32 $0x30, s7  }
0x12: {  	s4 =	sadd.s32 s2, s4;
	s6 =	sadd.s32 s2, s26;
	s7 =	sadd.s32 s2, s7  }
0x13: {  	s26 =	simm.s32 $0x4200;
	s2 =	simm.s32 $0x7;
	s5 =	sadd.s32 $0x10, s4  }
.LBB2_1:
0x14: {  	[tilespmem:s3], [sflag:$0x1] =	stream.linear.gather [hbm4b:s4+s3], $0x40, $0x38;
	[tilespmem:$0xA200] =	vst v63  }
0x15: {  	_ = 	snop  }
0x16: {  	[tilespmem:s14], [sflag:$0x3] =	stream.linear.gather [hbm4b:s5+s3], $0x40, $0x38;
	[tilespmem:$0xA200] =	vst v63  }
0x17: {  	_ = 	snop  }
0x18: {  	[tilespmem:s15], [sflag:$0x4] =	stream.linear.gather [hbm4b:s6+s3], $0x40, $0x38;
	[tilespmem:$0xA200] =	vst v63  }
0x19: {  	_ = 	snop  }
0x1a: {  	[tilespmem:s16], [sflag:$0x5] =	stream.linear.gather [hbm4b:s7+s3], $0x40, $0x38;
	[tilespmem:$0xA200] =	vst v63  }
0x1b: {  	s17 =	simm.s32 $0x8200  }
0x1c: {  	[tilespmem:s17], [sflag:$0x6] =	stream.linear.gather [hbm4b:s9+s3], $0x2000, $0x38;
	[tilespmem:$0xA200] =	vst v63  }
0x1d: {  	_ =	swait.ge [sflag:s18], $0x40  }
0x1e: {  	[sflag:s18] =	ssyncset.done $0x0  }
0x1f: {  	[sflag:s18] =	ssyncadd.s32 $0xFFFFFFC0  }
0x20: {  	[tilespmem:s20], [sflag:$0x1] =	stream.indirect.gather [hbm4b:s1+s19], $0x80, s3, s19, $0xb8;
	[tilespmem:$0xA200] =	vst v63  }
0x21: {  	s21 =	simm.s32 $0x1200  }
0x22: {  	[tilespmem:s21], [sflag:$0x2] =	stream.indirect.gather [hbm4b:s1+s19], $0x80, s19, s19, $0xb8;
	[tilespmem:$0xA200] =	vst v63  }
0x23: {  	_ =	swait.ge [sflag:s22], $0x40  }
0x24: {  	[sflag:s22] =	ssyncset.done $0x0  }
0x25: {  	[sflag:s22] =	ssyncadd.s32 $0xFFFFFFC0  }
0x26: {  	[tilespmem:s24], [sflag:$0x3] =	stream.indirect.gather [hbm4b:s1+s23], $0x80, s14, s23, $0xb8;
	[tilespmem:$0xA200] =	vst v63  }
0x27: {  	_ =	swait.ge [sflag:s25], $0x40  }
0x28: {  	[sflag:s25] =	ssyncset.done $0x0  }
0x29: {  	[sflag:s25] =	ssyncadd.s32 $0xFFFFFFC0  }
0x2a: {  	[tilespmem:s26], [sflag:$0x4] =	stream.indirect.gather [hbm4b:s1+s23], $0x80, s15, s23, $0xb8;
	[tilespmem:$0xA200] =	vst v63  }
0x2b: {  	_ =	swait.ge [sflag:s28], $0x40  }
0x2c: {  	[sflag:s28] =	ssyncset.done $0x0  }
0x2d: {  	[sflag:s28] =	ssyncadd.s32 $0xFFFFFFC0  }
0x2e: {  	[tilespmem:s29], [sflag:$0x5] =	stream.indirect.gather [hbm4b:s1+s23], $0x80, s16, s23, $0xb8;
	[tilespmem:$0xA200] =	vst v63  }
0x2f: {  	_ =	swait.ge [sflag:s30], $0x2000  }
0x30: {  	[sflag:s30] =	ssyncset.done $0x0  }
0x31: {  	[sflag:s30] =	ssyncadd.s32 $0xFFFFE000  }
0x32: {  	_ =	swait.ge [sflag:s18], $0x1000  }
0x33: {  	[sflag:s18] =	ssyncset.done $0x0  }
0x34: {  	s17 =	simm.s32 $0x0;
	s21 =	simm.s32 $0x200;
	[sflag:s18] =	ssyncadd.s32 $0xFFFFF000  }
.LBB2_2:
0x35: {  	p0 =	sne.s32 s21, $0x3E00;
	v0 =	vld [tilespmem:s17+$0x8270]  }
0x36: {  	v1 =	vld [tilespmem:s17+$0x8200]  }
0x37: {  	v2 =	vld [tilespmem:s17+$0x8210]  }
0x38: {  	v3 =	vld [tilespmem:s17+$0x8220]  }
0x39: {  	v4 =	vld [tilespmem:s17+$0x8230]  }
0x3a: {  	[tilespmem:s17+$0x270] =	vst.add.f32.msk $0xffff, v0  }
0x3b: {  	v0 =	vld [tilespmem:s17+$0x8240]  }
0x3c: {  	v5 =	vld [tilespmem:s17+$0x8250]  }
0x3d: {  	v6 =	vld [tilespmem:s17+$0x8260]  }
0x3e: {  	[tilespmem:s17+$0x200] =	vst.add.f32.msk $0xffff, v1  }
0x3f: {  	[tilespmem:s17+$0x210] =	vst.add.f32.msk $0xffff, v2  }
.Ltmp0:
0x40: {  	[tilespmem:s17+$0x220] =	vst.add.f32.msk $0xffff, v3;
	(pc) =	sbr.rel @p0 .LBB2_2-.Ltmp0, $4  }
0x41: {  	[tilespmem:s17+$0x230] =	vst.add.f32.msk $0xffff, v4  }
0x42: {  	[tilespmem:s17+$0x240] =	vst.add.f32.msk $0xffff, v0  }
0x43: {  	[tilespmem:s17+$0x250] =	vst.add.f32.msk $0xffff, v5  }
0x44: {  	[tilespmem:s17+$0x260] =	vst.add.f32.msk $0xffff, v6;
	s17 =	sshra.s32 s21, $0x2;
	s21 =	sadd.s32 $0x200, s21  }
0x45: {  	v0 =	vld [tilespmem:s17+$0x8270]  }
0x46: {  	v1 =	vld [tilespmem:s17+$0x8200]  }
0x47: {  	v2 =	vld [tilespmem:s17+$0x8210]  }
0x48: {  	v3 =	vld [tilespmem:s17+$0x8220]  }
0x49: {  	v4 =	vld [tilespmem:s17+$0x8230]  }
0x4a: {  	v63 =	vld [tilespmem:s17+$0x8240]  }
0x4b: {  	v5 =	vld [tilespmem:s17+$0x8250]  }
0x4c: {  	v6 =	vld [tilespmem:s17+$0x8260]  }
0x4d: {  	[tilespmem:s17+$0x270] =	vst.add.f32.msk $0xffff, v0  }
0x4e: {  	[tilespmem:s17+$0x200] =	vst.add.f32.msk $0xffff, v1  }
0x4f: {  	[tilespmem:s17+$0x210] =	vst.add.f32.msk $0xffff, v2  }
0x50: {  	[tilespmem:s17+$0x220] =	vst.add.f32.msk $0xffff, v3  }
0x51: {  	[tilespmem:s17+$0x230] =	vst.add.f32.msk $0xffff, v4  }
0x52: {  	[tilespmem:s17+$0x240] =	vst.add.f32.msk $0xffff, v63  }
0x53: {  	[tilespmem:s17+$0x250] =	vst.add.f32.msk $0xffff, v5  }
0x54: {  	[tilespmem:s17+$0x260] =	vst.add.f32.msk $0xffff, v6  }
0x55: {  	_ =	swait.ge [sflag:s31], $0x1000  }
0x56: {  	[sflag:s31] =	ssyncset.done $0x0  }
0x57: {  	s21 =	simm.s32 $0x200;
	s17 =	simm.s32 $0x0;
	[sflag:s31] =	ssyncadd.s32 $0xFFFFF000  }
.LBB2_4:
0x58: {  	p0 =	sne.s32 s21, $0x3E00;
	v0 =	vld [tilespmem:s17+$0x9270]  }
0x59: {  	v1 =	vld [tilespmem:s17+$0x9200]  }
0x5a: {  	v2 =	vld [tilespmem:s17+$0x9210]  }
0x5b: {  	v3 =	vld [tilespmem:s17+$0x9220]  }
0x5c: {  	v4 =	vld [tilespmem:s17+$0x9230]  }
0x5d: {  	[tilespmem:s17+$0x1270] =	vst.add.f32.msk $0xffff, v0  }
0x5e: {  	v0 =	vld [tilespmem:s17+$0x9240]  }
0x5f: {  	v5 =	vld [tilespmem:s17+$0x9250]  }
0x60: {  	v6 =	vld [tilespmem:s17+$0x9260]  }
0x61: {  	[tilespmem:s17+$0x1200] =	vst.add.f32.msk $0xffff, v1  }
0x62: {  	[tilespmem:s17+$0x1210] =	vst.add.f32.msk $0xffff, v2  }
.Ltmp1:
0x63: {  	[tilespmem:s17+$0x1220] =	vst.add.f32.msk $0xffff, v3;
	(pc) =	sbr.rel @p0 .LBB2_4-.Ltmp1, $4  }
0x64: {  	[tilespmem:s17+$0x1230] =	vst.add.f32.msk $0xffff, v4  }
0x65: {  	[tilespmem:s17+$0x1240] =	vst.add.f32.msk $0xffff, v0  }
0x66: {  	[tilespmem:s17+$0x1250] =	vst.add.f32.msk $0xffff, v5  }
0x67: {  	[tilespmem:s17+$0x1260] =	vst.add.f32.msk $0xffff, v6;
	s17 =	sshra.s32 s21, $0x2;
	s21 =	sadd.s32 $0x200, s21  }
0x68: {  	v0 =	vld [tilespmem:s17+$0x9270]  }
0x69: {  	v1 =	vld [tilespmem:s17+$0x9200]  }
0x6a: {  	v2 =	vld [tilespmem:s17+$0x9210]  }
0x6b: {  	v3 =	vld [tilespmem:s17+$0x9220]  }
0x6c: {  	v4 =	vld [tilespmem:s17+$0x9230]  }
0x6d: {  	v63 =	vld [tilespmem:s17+$0x9240]  }
0x6e: {  	v5 =	vld [tilespmem:s17+$0x9250]  }
0x6f: {  	v6 =	vld [tilespmem:s17+$0x9260]  }
0x70: {  	[tilespmem:s17+$0x1270] =	vst.add.f32.msk $0xffff, v0  }
0x71: {  	[tilespmem:s17+$0x1200] =	vst.add.f32.msk $0xffff, v1  }
0x72: {  	[tilespmem:s17+$0x1210] =	vst.add.f32.msk $0xffff, v2  }
0x73: {  	[tilespmem:s17+$0x1220] =	vst.add.f32.msk $0xffff, v3  }
0x74: {  	[tilespmem:s17+$0x1230] =	vst.add.f32.msk $0xffff, v4  }
0x75: {  	[tilespmem:s17+$0x1240] =	vst.add.f32.msk $0xffff, v63  }
0x76: {  	[tilespmem:s17+$0x1250] =	vst.add.f32.msk $0xffff, v5  }
0x77: {  	s21 =	simm.s32 $0x0;
	[tilespmem:s17+$0x1260] =	vst.add.f32.msk $0xffff, v6  }
0x78: {  	[hbm4b:s8+s21] =	stream.linear.scatter [tilespmem:s20], [sflag:$0x7], $0x2000, $0x38;
	[tilespmem:$0xA200] =	vst v63  }
0x79: {  	_ =	swait.ge [sflag:s22], $0x2000  }
0x7a: {  	[sflag:s22] =	ssyncset.done $0x0  }
0x7b: {  	s17 =	simm.s32 $0x0;
	s21 =	simm.s32 $0x200;
	[sflag:s22] =	ssyncadd.s32 $0xFFFFE000  }
.LBB2_6:
0x7c: {  	p0 =	sne.s32 s21, $0x7E00;
	v0 =	vld [tilespmem:s17+$0x8270]  }
0x7d: {  	v1 =	vld [tilespmem:s17+$0x8200]  }
0x7e: {  	v2 =	vld [tilespmem:s17+$0x8210]  }
0x7f: {  	v3 =	vld [tilespmem:s17+$0x8220]  }
0x80: {  	v4 =	vld [tilespmem:s17+$0x8230]  }
0x81: {  	[tilespmem:s17+$0x2270] =	vst.add.f32.msk $0xffff, v0  }
0x82: {  	v0 =	vld [tilespmem:s17+$0x8240]  }
0x83: {  	v5 =	vld [tilespmem:s17+$0x8250]  }
0x84: {  	v6 =	vld [tilespmem:s17+$0x8260]  }
0x85: {  	[tilespmem:s17+$0x2200] =	vst.add.f32.msk $0xffff, v1  }
0x86: {  	[tilespmem:s17+$0x2210] =	vst.add.f32.msk $0xffff, v2  }
.Ltmp2:
0x87: {  	[tilespmem:s17+$0x2220] =	vst.add.f32.msk $0xffff, v3;
	(pc) =	sbr.rel @p0 .LBB2_6-.Ltmp2, $4  }
0x88: {  	[tilespmem:s17+$0x2230] =	vst.add.f32.msk $0xffff, v4  }
0x89: {  	[tilespmem:s17+$0x2240] =	vst.add.f32.msk $0xffff, v0  }
0x8a: {  	[tilespmem:s17+$0x2250] =	vst.add.f32.msk $0xffff, v5  }
0x8b: {  	[tilespmem:s17+$0x2260] =	vst.add.f32.msk $0xffff, v6;
	s17 =	sshra.s32 s21, $0x2;
	s21 =	sadd.s32 $0x200, s21  }
0x8c: {  	v0 =	vld [tilespmem:s17+$0x8270]  }
0x8d: {  	v1 =	vld [tilespmem:s17+$0x8200]  }
0x8e: {  	v2 =	vld [tilespmem:s17+$0x8210]  }
0x8f: {  	v3 =	vld [tilespmem:s17+$0x8220]  }
0x90: {  	v4 =	vld [tilespmem:s17+$0x8230]  }
0x91: {  	v63 =	vld [tilespmem:s17+$0x8240]  }
0x92: {  	v5 =	vld [tilespmem:s17+$0x8250]  }
0x93: {  	v6 =	vld [tilespmem:s17+$0x8260]  }
0x94: {  	[tilespmem:s17+$0x2270] =	vst.add.f32.msk $0xffff, v0  }
0x95: {  	[tilespmem:s17+$0x2200] =	vst.add.f32.msk $0xffff, v1  }
0x96: {  	[tilespmem:s17+$0x2210] =	vst.add.f32.msk $0xffff, v2  }
0x97: {  	[tilespmem:s17+$0x2220] =	vst.add.f32.msk $0xffff, v3  }
0x98: {  	[tilespmem:s17+$0x2230] =	vst.add.f32.msk $0xffff, v4  }
0x99: {  	[tilespmem:s17+$0x2240] =	vst.add.f32.msk $0xffff, v63  }
0x9a: {  	[tilespmem:s17+$0x2250] =	vst.add.f32.msk $0xffff, v5  }
0x9b: {  	s21 =	simm.s32 $0x0;
	[tilespmem:s17+$0x2260] =	vst.add.f32.msk $0xffff, v6  }
0x9c: {  	[hbm4b:s10+s21] =	stream.linear.scatter [tilespmem:s24], [sflag:$0x7], $0x2000, $0x38;
	[tilespmem:$0xA200] =	vst v63  }
0x9d: {  	_ =	swait.ge [sflag:s25], $0x2000  }
0x9e: {  	[sflag:s25] =	ssyncset.done $0x0  }
0x9f: {  	s17 =	simm.s32 $0x0;
	s21 =	simm.s32 $0x200;
	[sflag:s25] =	ssyncadd.s32 $0xFFFFE000  }
.LBB2_8:
0xa0: {  	p0 =	sne.s32 s21, $0x7E00;
	v0 =	vld [tilespmem:s17+$0x8270]  }
0xa1: {  	v1 =	vld [tilespmem:s17+$0x8200]  }
0xa2: {  	v2 =	vld [tilespmem:s17+$0x8210]  }
0xa3: {  	v3 =	vld [tilespmem:s17+$0x8220]  }
0xa4: {  	v4 =	vld [tilespmem:s17+$0x8230]  }
0xa5: {  	[tilespmem:s17+$0x4270] =	vst.add.f32.msk $0xffff, v0  }
0xa6: {  	v0 =	vld [tilespmem:s17+$0x8240]  }
0xa7: {  	v5 =	vld [tilespmem:s17+$0x8250]  }
0xa8: {  	v6 =	vld [tilespmem:s17+$0x8260]  }
0xa9: {  	[tilespmem:s17+$0x4200] =	vst.add.f32.msk $0xffff, v1  }
0xaa: {  	[tilespmem:s17+$0x4210] =	vst.add.f32.msk $0xffff, v2  }
.Ltmp3:
0xab: {  	[tilespmem:s17+$0x4220] =	vst.add.f32.msk $0xffff, v3;
	(pc) =	sbr.rel @p0 .LBB2_8-.Ltmp3, $4  }
0xac: {  	[tilespmem:s17+$0x4230] =	vst.add.f32.msk $0xffff, v4  }
0xad: {  	[tilespmem:s17+$0x4240] =	vst.add.f32.msk $0xffff, v0  }
0xae: {  	[tilespmem:s17+$0x4250] =	vst.add.f32.msk $0xffff, v5  }
0xaf: {  	[tilespmem:s17+$0x4260] =	vst.add.f32.msk $0xffff, v6;
	s17 =	sshra.s32 s21, $0x2;
	s21 =	sadd.s32 $0x200, s21  }
0xb0: {  	v0 =	vld [tilespmem:s17+$0x8270]  }
0xb1: {  	v1 =	vld [tilespmem:s17+$0x8200]  }
0xb2: {  	v2 =	vld [tilespmem:s17+$0x8210]  }
0xb3: {  	v3 =	vld [tilespmem:s17+$0x8220]  }
0xb4: {  	v4 =	vld [tilespmem:s17+$0x8230]  }
0xb5: {  	v63 =	vld [tilespmem:s17+$0x8240]  }
0xb6: {  	v5 =	vld [tilespmem:s17+$0x8250]  }
0xb7: {  	v6 =	vld [tilespmem:s17+$0x8260]  }
0xb8: {  	[tilespmem:s17+$0x4270] =	vst.add.f32.msk $0xffff, v0  }
0xb9: {  	[tilespmem:s17+$0x4200] =	vst.add.f32.msk $0xffff, v1  }
0xba: {  	[tilespmem:s17+$0x4210] =	vst.add.f32.msk $0xffff, v2  }
0xbb: {  	[tilespmem:s17+$0x4220] =	vst.add.f32.msk $0xffff, v3  }
0xbc: {  	[tilespmem:s17+$0x4230] =	vst.add.f32.msk $0xffff, v4  }
0xbd: {  	[tilespmem:s17+$0x4240] =	vst.add.f32.msk $0xffff, v63  }
0xbe: {  	[tilespmem:s17+$0x4250] =	vst.add.f32.msk $0xffff, v5  }
0xbf: {  	s21 =	simm.s32 $0x0;
	[tilespmem:s17+$0x4260] =	vst.add.f32.msk $0xffff, v6  }
0xc0: {  	[hbm4b:s11+s21] =	stream.linear.scatter [tilespmem:s26], [sflag:$0x7], $0x2000, $0x38;
	[tilespmem:$0xA200] =	vst v63  }
0xc1: {  	_ =	swait.ge [sflag:s28], $0x2000  }
0xc2: {  	[sflag:s28] =	ssyncset.done $0x0  }
0xc3: {  	s17 =	simm.s32 $0x0;
	s21 =	simm.s32 $0x200;
	[sflag:s28] =	ssyncadd.s32 $0xFFFFE000  }
.LBB2_10:
0xc4: {  	p0 =	sne.s32 s21, $0x7E00;
	v0 =	vld [tilespmem:s17+$0x8270]  }
0xc5: {  	v1 =	vld [tilespmem:s17+$0x8200]  }
0xc6: {  	v2 =	vld [tilespmem:s17+$0x8210]  }
0xc7: {  	v3 =	vld [tilespmem:s17+$0x8220]  }
0xc8: {  	v4 =	vld [tilespmem:s17+$0x8230]  }
0xc9: {  	[tilespmem:s17+$0x6270] =	vst.add.f32.msk $0xffff, v0  }
0xca: {  	v0 =	vld [tilespmem:s17+$0x8240]  }
0xcb: {  	v5 =	vld [tilespmem:s17+$0x8250]  }
0xcc: {  	v6 =	vld [tilespmem:s17+$0x8260]  }
0xcd: {  	[tilespmem:s17+$0x6200] =	vst.add.f32.msk $0xffff, v1  }
0xce: {  	[tilespmem:s17+$0x6210] =	vst.add.f32.msk $0xffff, v2  }
.Ltmp4:
0xcf: {  	[tilespmem:s17+$0x6220] =	vst.add.f32.msk $0xffff, v3;
	(pc) =	sbr.rel @p0 .LBB2_10-.Ltmp4, $4  }
0xd0: {  	[tilespmem:s17+$0x6230] =	vst.add.f32.msk $0xffff, v4  }
0xd1: {  	[tilespmem:s17+$0x6240] =	vst.add.f32.msk $0xffff, v0  }
0xd2: {  	[tilespmem:s17+$0x6250] =	vst.add.f32.msk $0xffff, v5  }
0xd3: {  	[tilespmem:s17+$0x6260] =	vst.add.f32.msk $0xffff, v6;
	s17 =	sshra.s32 s21, $0x2;
	s21 =	sadd.s32 $0x200, s21  }
0xd4: {  	v0 =	vld [tilespmem:s17+$0x8270]  }
0xd5: {  	v1 =	vld [tilespmem:s17+$0x8200]  }
0xd6: {  	v2 =	vld [tilespmem:s17+$0x8210]  }
0xd7: {  	v3 =	vld [tilespmem:s17+$0x8220]  }
0xd8: {  	v4 =	vld [tilespmem:s17+$0x8230]  }
0xd9: {  	v63 =	vld [tilespmem:s17+$0x8240]  }
0xda: {  	v5 =	vld [tilespmem:s17+$0x8250]  }
0xdb: {  	v6 =	vld [tilespmem:s17+$0x8260]  }
0xdc: {  	[tilespmem:s17+$0x6270] =	vst.add.f32.msk $0xffff, v0  }
0xdd: {  	[tilespmem:s17+$0x6200] =	vst.add.f32.msk $0xffff, v1  }
0xde: {  	[tilespmem:s17+$0x6210] =	vst.add.f32.msk $0xffff, v2  }
0xdf: {  	[tilespmem:s17+$0x6220] =	vst.add.f32.msk $0xffff, v3  }
0xe0: {  	[tilespmem:s17+$0x6230] =	vst.add.f32.msk $0xffff, v4  }
0xe1: {  	[tilespmem:s17+$0x6240] =	vst.add.f32.msk $0xffff, v63  }
0xe2: {  	[tilespmem:s17+$0x6250] =	vst.add.f32.msk $0xffff, v5  }
0xe3: {  	[tilespmem:s17+$0x6260] =	vst.add.f32.msk $0xffff, v6  }
0xe4: {  	[hbm4b:s12+s3] =	stream.linear.scatter [tilespmem:s29], [sflag:$0x7], $0x2000, $0x38;
	[tilespmem:$0xA200] =	vst v63  }
0xe5: {  	_ =	swait.ge [sflag:s2], $0x2000  }
0xe6: {  	[sflag:s2] =	ssyncset.done $0x0  }
0xe7: {  	[sflag:s2] =	ssyncadd.s32 $0xFFFFE000  }
0xe8: {  	_ =	swait.ge [sflag:s2], $0x2000  }
0xe9: {  	[sflag:s2] =	ssyncset.done $0x0  }
0xea: {  	s0 =	sadd.s32 $0x1, s0;
	[sflag:s2] =	ssyncadd.s32 $0xFFFFE000  }
0xeb: {  	p0 =	sne.s32 s0, s13;
	_ =	swait.ge [sflag:s2], $0x2000  }
.Ltmp5:
0xec: {  	[sflag:s2] =	ssyncset.done $0x0;
	(pc) =	sbr.rel @p0 .LBB2_1-.Ltmp5, $4  }
0xed: {  	[sflag:s2] =	ssyncadd.s32 $0xFFFFE000  }
0xee: {  	_ =	swait.ge [sflag:s2], $0x2000  }
0xef: {  	[sflag:s2] =	ssyncset.done $0x0  }
0xf0: {  	[sflag:s2] =	ssyncadd.s32 $0xFFFFE000  }
0xf1: {  	_ =	sfence.sel $0x180000  }
0xf2: {  	[bflag:$0x0] =	sbarrier.arrive $0xFFFF  }
0xf3: {  	_ =	strace $0x90000047  }
0xf4: {  	s0 =	stileid.u32;
	[bflag:$0x2] =	sbarrier.arrive $0xFFFF  }
0xf5: {  	p0 =	sne.s32 s0, $0x0;
	s0 =	rddreg [dreg:$0x4]  }
0xf6: {  	s0 =	sadd.s32 @!p0 $0x100000, s0  }
0xf7: {  	[sflag:s0] =	ssyncadd.tile.s32 @!p0 $0x1;
	_ =	shalt  }
.Lfunc_end2:
_tile_overlayer_lowered:
.L_overlay_start_2:
0xf8: {  	(tag) =	ssettag $0x2  }
0xf9: {  	s0 =	rddreg [dreg:$0x0];
	s2 =	stileid.u32  }
0xfa: {  	s1 =	rddreg [dreg:$0x1];
	p0 =	sne.s32 s2, $0x0  }
0xfb: {  	s3 =	rddreg [dreg:$0x2];
	[bflag:$0x3] =	sbarrier.arrive $0xFFFF;
	s2 =	simm.s32 @!p0 $0x1C08  }
0xfc: {  	[timem:s3], [sflag:s2] =	dma.local @!p0 [hbm:s0], s1  }
0xfd: {  	s0 =	simm.s32 @!p0 $0x8  }
0xfe: {  	_ =	swait.ge @!p0 [sflag:s0], s1  }
0xff: {  	s1 =	ssub.s32 @!p0 $0x0, s1;
	[sflag:s0] =	ssyncset.done @!p0 $0x0  }
0x100: {  	[sflag:s0] =	ssyncadd.s32 @!p0 s1  }
0x101: {  	[bflag:$0x3] =	sbarrier.arrive $0xFFFF  }
0x102: {  	_ =	shalt  }

</sc_bundles>
